<compile_context>
chip_gen: v7x
topology: tpu7x:2x2x1
jax: 0.10.2.dev20260603
libtpu: 0.0.44.dev20260713+nightly
codegen_flags: <defaults>
</compile_context>

<pallas_src>
import functools

import jax
import jax.numpy as jnp
from jax import lax
from jax.experimental import pallas as pl
from jax.experimental.pallas import tpu as pltpu
from jax.experimental.pallas import tpu_sc as plsc

_PC = pl.pallas_call
_PK = pl.kernel

B = 2
N = 10000
E = 2048
D = 128
H = 16
DH = D // H
EPS = 1e-05

NC = 2
NS = 16
NW = NC * NS
NP = 10240
CW = 16
R = B * N
RB = 2000
EQ = 256


def _ln_body(x_ref, w_ref, b_ref, o_ref):
    x = x_ref[...]
    m = jnp.mean(x, axis=-1, keepdims=True)
    xc = x - m
    v = jnp.mean(xc * xc, axis=-1, keepdims=True)
    o_ref[...] = xc * lax.rsqrt(v + EPS) * w_ref[...] + b_ref[...]


def _layernorm_rows(x2d, w, b):
    return _PC(
        _ln_body,
        grid=(R // RB,),
        in_specs=[
            pl.BlockSpec((RB, D), lambda i: (i, 0)),
            pl.BlockSpec((1, D), lambda i: (0, 0)),
            pl.BlockSpec((1, D), lambda i: (0, 0)),
        ],
        out_specs=pl.BlockSpec((RB, D), lambda i: (i, 0)),
        out_shape=jax.ShapeDtypeStruct((R, D), jnp.float32),
    )(x2d, w.reshape(1, D), b.reshape(1, D))


def _sc_gather(table, gidx):
    G = gidx.shape[0]
    gpw = G // NW
    mesh = plsc.VectorSubcoreMesh(core_axis_name="c", subcore_axis_name="s")

    @functools.partial(
        _PK,
        mesh=mesh,
        out_type=jax.ShapeDtypeStruct((G, D), jnp.float32),
        scratch_types=[
            pltpu.VMEM((gpw,), jnp.int32),
            pltpu.VMEM((gpw, D), jnp.float32),
            pltpu.SemaphoreType.DMA,
        ],
    )
    def gather_k(table_hbm, idx_hbm, out_hbm, idx_v, rows_v, sem):
        wid = lax.axis_index("s") * NC + lax.axis_index("c")
        base = wid * gpw
        pltpu.sync_copy(idx_hbm.at[pl.ds(base, gpw)], idx_v)
        pltpu.async_copy(table_hbm.at[idx_v], rows_v, sem).wait()
        pltpu.sync_copy(rows_v, out_hbm.at[pl.ds(base, gpw)])

    return gather_k(table, gidx)


def _proj_body(kg_ref, qg_ref, ea_ref, w2_ref, b2_ref, Wq_ref, bq_ref,
               Wkv_ref, bkv_ref, We_ref, be_ref, q_o, k_o, v_o):
    ea = ea_ref[...]
    m = jnp.mean(ea, axis=-1, keepdims=True)
    xc = ea - m
    var = jnp.mean(xc * xc, axis=-1, keepdims=True)
    ea_ln = xc * lax.rsqrt(var + EPS) * w2_ref[...] + b2_ref[...]
    e = jnp.dot(ea_ln, We_ref[...], preferred_element_type=jnp.float32) + be_ref[...]
    q = jnp.dot(qg_ref[...], Wq_ref[...], preferred_element_type=jnp.float32) + bq_ref[...] + e
    kv = jnp.dot(kg_ref[...], Wkv_ref[...], preferred_element_type=jnp.float32) + bkv_ref[...]
    q_o[...] = q
    k_o[...] = kv[:, :D]
    v_o[...] = kv[:, D:]


def _projections(kg, qg, ea, ln2_w, ln2_b, Wq, bq, Wkv, bkv, We, be):
    M = B * E
    full = lambda shape: pl.BlockSpec(shape, lambda i: tuple(0 for _ in shape))
    shp = jax.ShapeDtypeStruct((M, D), jnp.float32)
    return _PC(
        _proj_body,
        grid=(1,),
        in_specs=[
            full((M, D)), full((M, D)), full((M, D)),
            full((1, D)), full((1, D)),
            full((D, D)), full((1, D)),
            full((D, 2 * D)), full((1, 2 * D)),
            full((D, D)), full((1, D)),
        ],
        out_specs=[full((M, D)), full((M, D)), full((M, D))],
        out_shape=[shp, shp, shp],
    )(kg, qg, ea, ln2_w.reshape(1, D), ln2_b.reshape(1, D),
      Wq, bq.reshape(1, D), Wkv, bkv.reshape(1, 2 * D), We, be.reshape(1, D))


def _attn_body(q_ref, k_ref, v_ref, vb_ref, w3_ref, b3_ref,
               W1_ref, b1_ref, W2_ref, b2_ref, o_ref):
    q = q_ref[0]
    k = k_ref[0]
    v = v_ref[0]
    head = lax.broadcasted_iota(jnp.int32, (1, D), 1) // DH
    acc = jnp.zeros((EQ, D), jnp.float32)
    scale = 1.0 / (float(DH) ** 0.5)
    for h in range(H):
        msk = (head == h).astype(jnp.float32)
        km = k * msk
        s = lax.dot_general(q, km, (((1,), (1,)), ((), ())),
                            preferred_element_type=jnp.float32) * scale
        mx = jnp.max(s, axis=-1, keepdims=True)
        p = jnp.exp(s - mx)
        den = jnp.sum(p, axis=-1, keepdims=True)
        oh = lax.dot_general(p, v * msk, (((1,), (0,)), ((), ())),
                             preferred_element_type=jnp.float32)
        acc = acc + oh / den
    hid = vb_ref[0] + acc
    m = jnp.mean(hid, axis=-1, keepdims=True)
    xc = hid - m
    var = jnp.mean(xc * xc, axis=-1, keepdims=True)
    hid = xc * lax.rsqrt(var + EPS) * w3_ref[...] + b3_ref[...]
    f = jnp.maximum(
        jnp.dot(hid, W1_ref[...], preferred_element_type=jnp.float32) + b1_ref[...], 0.0)
    f = jnp.dot(f, W2_ref[...], preferred_element_type=jnp.float32) + b2_ref[...]
    o_ref[0] = f + hid


def _attention(q, k, v, ln3_w, ln3_b, W1, b1, W2, b2):
    wfull = lambda shape: pl.BlockSpec(shape, lambda b_, j: tuple(0 for _ in shape))
    return _PC(
        _attn_body,
        grid=(B, E // EQ),
        in_specs=[
            pl.BlockSpec((1, EQ, D), lambda b_, j: (b_, j, 0)),
            pl.BlockSpec((1, E, D), lambda b_, j: (b_, 0, 0)),
            pl.BlockSpec((1, E, D), lambda b_, j: (b_, 0, 0)),
            pl.BlockSpec((1, EQ, D), lambda b_, j: (b_, j, 0)),
            wfull((1, D)), wfull((1, D)),
            wfull((D, 4 * D)), wfull((1, 4 * D)),
            wfull((4 * D, D)), wfull((1, D)),
        ],
        out_specs=pl.BlockSpec((1, EQ, D), lambda b_, j: (b_, j, 0)),
        out_shape=jax.ShapeDtypeStruct((B, E, D), jnp.float32),
        compiler_params=pltpu.CompilerParams(vmem_limit_bytes=100 * 1024 * 1024),
    )(q, k, v, v, ln3_w.reshape(1, D), ln3_b.reshape(1, D),
      W1, b1.reshape(1, 4 * D), W2, b2.reshape(1, D))


def _sc_scatter(hidden2d, idx1d):
    EPW = E // NS
    RPW = NP // NS
    mesh = plsc.VectorSubcoreMesh(core_axis_name="c", subcore_axis_name="s")
    zs = jnp.zeros((NP, D), jnp.float32)

    @functools.partial(
        _PK,
        mesh=mesh,
        out_type=jax.ShapeDtypeStruct((B * NP, D), jnp.float32),
        scratch_types=[
            pltpu.VMEM((EPW,), jnp.int32),
            pltpu.VMEM((EPW, D), jnp.float32),
            pltpu.VMEM_SHARED((NP, D), jnp.float32),
        ],
    )
    def scatter_k(hid_hbm, idx_hbm, zs_hbm, seg_hbm, idx_v, rows_v, sh_sum):
        c = lax.axis_index("c")
        s_ = lax.axis_index("s")
        ebase = c * E + s_ * EPW
        rbase = s_ * RPW
        obase = c * NP + s_ * RPW
        pltpu.sync_copy(zs_hbm.at[pl.ds(rbase, RPW)], sh_sum.at[pl.ds(rbase, RPW)])
        pltpu.sync_copy(idx_hbm.at[pl.ds(ebase, EPW)], idx_v)
        pltpu.sync_copy(hid_hbm.at[pl.ds(ebase, EPW)], rows_v)
        plsc.subcore_barrier()
        pltpu.sync_copy(rows_v, sh_sum.at[idx_v], add=True)
        plsc.subcore_barrier()
        pltpu.sync_copy(sh_sum.at[pl.ds(rbase, RPW)], seg_hbm.at[pl.ds(obase, RPW)])

    return scatter_k(hidden2d, idx1d, zs)


ECC = 512


def _comb_body(idx_ref, seg_ref, xln_ref, o_ref):
    i = pl.program_id(0)
    b = i // (N // RB)
    nid = (i % (N // RB)) * RB + lax.broadcasted_iota(jnp.int32, (RB, 1), 0)
    cnt = jnp.zeros((RB, 1), jnp.float32)
    for c0 in range(E // ECC):
        ic = idx_ref[pl.ds(b, 1), pl.ds(c0 * ECC, ECC)]
        cnt = cnt + jnp.sum((ic == nid).astype(jnp.float32), axis=1, keepdims=True)
    mean = seg_ref[...] / jnp.maximum(cnt, 1.0)
    o_ref[...] = jnp.where(mean != 0.0, mean, xln_ref[...])


def _combine(idx2, seg2, x_ln):
    return _PC(
        _comb_body,
        grid=(R // RB,),
        in_specs=[
            pl.BlockSpec((B, E), lambda i: (0, 0)),
            pl.BlockSpec((RB, D), lambda i: (i, 0)),
            pl.BlockSpec((RB, D), lambda i: (i, 0)),
        ],
        out_specs=pl.BlockSpec((RB, D), lambda i: (i, 0)),
        out_shape=jax.ShapeDtypeStruct((R, D), jnp.float32),
    )(idx2, seg2, x_ln)


def kernel(x, edge_index, edge_attr, ln1_w, ln1_b, ln2_w, ln2_b, ln3_w, ln3_b,
           Wq, bq, Wkv, bkv, We, be, W1, b1, W2, b2):
    x_ln = _layernorm_rows(x.reshape(R, D), ln1_w, ln1_b)

    ei = edge_index.astype(jnp.int32)
    offs = (jnp.arange(B, dtype=jnp.int32) * N)[:, None]
    src = (ei[:, 0] + offs).reshape(-1)
    dst = (ei[:, 1] + offs).reshape(-1)
    g = _sc_gather(x_ln, jnp.concatenate([src, dst], axis=0))
    kg = g[: B * E]
    qg = g[B * E:]

    q, k, v = _projections(kg, qg, edge_attr.reshape(B * E, D),
                           ln2_w, ln2_b, Wq, bq, Wkv, bkv, We, be)
    hidden = _attention(q.reshape(B, E, D), k.reshape(B, E, D), v.reshape(B, E, D),
                        ln3_w, ln3_b, W1, b1, W2, b2)

    seg = _sc_scatter(hidden.reshape(B * E, D), ei[1].reshape(B * E))
    seg2 = seg.reshape(B, NP, D)[:, :N].reshape(R, D)
    out = _combine(ei[1], seg2, x_ln).reshape(B, N, D)
    return (out, edge_index, edge_attr)

# --- scband reference (transcript-rebuilt; emitter-appended) ---
"""Pipeline reference for scband-transformer-conv-block-5781025980850 (READ-ONLY COPY).

The authoritative reference and input builder live on the scoring server;
editing this copy changes nothing except your own understanding.
"""

import jax, jax.numpy as jnp
import numpy as np

B = 2
N = 10000
E = 2048
D = 128
H = 16
DH = D // H
EPS = 1e-05


def _ln(t, w, b):
    m = jnp.mean(t, axis=-1, keepdims=True)
    v = jnp.var(t, axis=-1, keepdims=True)
    return (t - m) / jnp.sqrt(v + EPS) * w + b


def setup_inputs(seed: int = 0):
    key = jax.random.key(seed)
    ks = jax.random.split(key, 12)
    s = 0.02
    inp = {}
    inp["x"] = jax.random.normal(ks[0], (B, N, D), dtype=jnp.float32)
    inp["edge_index"] = jax.random.randint(ks[1], (B, 2, E), 0, N)
    inp["edge_attr"] = jax.random.normal(ks[2], (B, E, D), dtype=jnp.float32)
    inp["ln1_w"] = jnp.ones((D,), jnp.float32)
    inp["ln1_b"] = jnp.zeros((D,), jnp.float32)
    inp["ln2_w"] = jnp.ones((D,), jnp.float32)
    inp["ln2_b"] = jnp.zeros((D,), jnp.float32)
    inp["ln3_w"] = jnp.ones((D,), jnp.float32)
    inp["ln3_b"] = jnp.zeros((D,), jnp.float32)
    inp["Wq"] = jax.random.normal(ks[3], (D, D), jnp.float32) * s
    inp["bq"] = jnp.zeros((D,), jnp.float32)
    inp["Wkv"] = jax.random.normal(ks[4], (D, 2 * D), jnp.float32) * s
    inp["bkv"] = jnp.zeros((2 * D,), jnp.float32)
    inp["We"] = jax.random.normal(ks[5], (D, D), jnp.float32) * s
    inp["be"] = jnp.zeros((D,), jnp.float32)
    inp["W1"] = jax.random.normal(ks[6], (D, 4 * D), jnp.float32) * s
    inp["b1"] = jnp.zeros((4 * D,), jnp.float32)
    inp["W2"] = jax.random.normal(ks[7], (4 * D, D), jnp.float32) * s
    inp["b2"] = jnp.zeros((D,), jnp.float32)
    return inp


def _forward(x, edge_attr, ln1_w, ln1_b, ln2_w, ln2_b, ln3_w, ln3_b, Wq, bq, Wkv, bkv, We, be, W1, b1, W2, b2, edge_index):
    x_ln = _ln(x, ln1_w, ln1_b)
    bidx = jnp.arange(B)[:, None]
    k_g = x_ln[bidx, edge_index[:, 0]]
    q_g = x_ln[bidx, edge_index[:, 1]]
    q = q_g @ Wq + bq
    e = _ln(edge_attr, ln2_w, ln2_b) @ We + be
    q = e + q
    kv = k_g @ Wkv + bkv
    k_join = kv[..., :D]
    v_join = kv[..., D:]

    def split_heads(t):
        return t.reshape(B, E, H, DH).transpose(0, 2, 1, 3)

    qh = split_heads(q)
    kh = split_heads(k_join).transpose(0, 1, 3, 2)
    vh = split_heads(v_join)
    w = jnp.matmul(qh, kh) / (float(DH) ** 0.5)
    w = jax.nn.softmax(w, axis=-1)
    o = jnp.matmul(w, vh)
    a = o.transpose(0, 2, 1, 3).reshape(B, E, D)
    hidden = _ln(v_join + a, ln3_w, ln3_b)
    ff = jax.nn.relu(hidden @ W1 + b1) @ W2 + b2
    hidden = ff + hidden
    idx = edge_index[1]
    seg_sum = jax.vmap(lambda h, i: jax.ops.segment_sum(h, i, num_segments=N))(hidden, idx)
    counts = jax.vmap(lambda i: jax.ops.segment_sum(jnp.ones((E,), jnp.float32), i, num_segments=N))(idx)
    mean = seg_sum / jnp.maximum(counts, 1.0)[..., None]
    out = jnp.where(mean != 0.0, mean, x_ln)
    return out


def reference(x, edge_index, edge_attr, ln1_w, ln1_b, ln2_w, ln2_b, ln3_w, ln3_b, Wq, bq, Wkv, bkv, We, be, W1, b1, W2, b2):
    out = _forward(x, edge_attr, ln1_w, ln1_b, ln2_w, ln2_b, ln3_w, ln3_b, Wq, bq, Wkv, bkv, We, be, W1, b1, W2, b2, edge_index)
    return (out, edge_index, edge_attr)

if __name__ == "__main__":
    import jax
    _d = setup_inputs()
    print(jax.jit(kernel)(*tuple(_d.values())))

</pallas_src>

<mosaic_0001>
#map = affine_map<(d0, d1) -> (0, 0)>
#map1 = affine_map<(d0, d1) -> (0)>
module attributes {stable_mosaic.version = 14 : i64} {
  func.func @scatter_k(%arg0: i32, %arg1: i32, %arg2: memref<4096x128xf32, #tpu.memory_space<hbm>>, %arg3: memref<4096xi32, #tpu.memory_space<hbm>>, %arg4: memref<10240x128xf32, #tpu.memory_space<hbm>>, %arg5: memref<20480x128xf32, #tpu.memory_space<hbm>>, %arg6: memref<128xi32, #tpu.memory_space<vmem>>, %arg7: memref<128x128xf32, #tpu.memory_space<vmem>>, %arg8: memref<10240x128xf32, #tpu.memory_space<vmem_shared>>) attributes {dimension_semantics = [#tpu.dimension_semantics<core_parallel>, #tpu.dimension_semantics<subcore_parallel>], iteration_bounds = array<i64: 2, 16>, scalar_prefetch = 0 : i64, scratch_operands = 3 : i64, tpu.core_type = #tpu.core_type<sc_vector_subcore>, window_params = [{transform_indices = #map}, {transform_indices = #map1}, {transform_indices = #map}, {transform_indices = #map}]} {
    %mul3A = arith.constant 2048 : i32
    %mul3A_0 = arith.muli %arg0, %mul3A : i32
    %mul3A_1 = arith.constant 128 : i32
    %mul3A_2 = arith.muli %arg1, %mul3A_1 : i32
    %add3A = arith.addi %mul3A_0, %mul3A_2 : i32
    %mul3A_3 = arith.constant 640 : i32
    %mul3A_4 = arith.muli %arg1, %mul3A_3 : i32
    %mul3A_5 = arith.constant 10240 : i32
    %mul3A_6 = arith.muli %arg0, %mul3A_5 : i32
    %mul3A_7 = arith.constant 640 : i32
    %mul3A_8 = arith.muli %arg1, %mul3A_7 : i32
    %add3A_9 = arith.addi %mul3A_6, %mul3A_8 : i32
    "tpu.region"() ({
      %run_scoped3A = tpu.sem_alloc : memref<!tpu.dma_semaphore, #tpu.memory_space<semaphore_mem>>
      %dma_start3A = arith.constant 0 : i32
      %dma_start3A_11 = tpu.memref_slice %arg8[%mul3A_4, %dma_start3A] : memref<10240x128xf32, #tpu.memory_space<vmem_shared>> -> memref<640x128xf32, #tpu.memory_space<vmem_shared>>
      %dma_start3A_12 = arith.constant 0 : i32
      %dma_start3A_13 = tpu.memref_slice %arg4[%mul3A_4, %dma_start3A_12] : memref<10240x128xf32, #tpu.memory_space<hbm>> -> memref<640x128xf32, #tpu.memory_space<hbm>>
      tpu.enqueue_dma source(%dma_start3A_13 : memref<640x128xf32, #tpu.memory_space<hbm>>) target(%dma_start3A_11 : memref<640x128xf32, #tpu.memory_space<vmem_shared>>) target_semaphore(%run_scoped3A : memref<!tpu.dma_semaphore, #tpu.memory_space<semaphore_mem>>)
      %dma_wait3A = arith.constant 0 : i32
      %dma_wait3A_14 = tpu.memref_slice %arg8[%mul3A_4, %dma_wait3A] : memref<10240x128xf32, #tpu.memory_space<vmem_shared>> -> memref<640x128xf32, #tpu.memory_space<vmem_shared>>
      %dma_wait3A_15 = arith.constant 0 : i32
      %dma_wait3A_16 = tpu.memref_slice %arg4[%mul3A_4, %dma_wait3A_15] : memref<10240x128xf32, #tpu.memory_space<hbm>> -> memref<640x128xf32, #tpu.memory_space<hbm>>
      tpu.wait_dma2 semaphore(%run_scoped3A : memref<!tpu.dma_semaphore, #tpu.memory_space<semaphore_mem>>) src(%dma_wait3A_16 : memref<640x128xf32, #tpu.memory_space<hbm>>) dst(%dma_wait3A_14 : memref<640x128xf32, #tpu.memory_space<vmem_shared>>)
      tpu.yield
    }) : () -> ()
    "tpu.region"() ({
      %run_scoped3A = tpu.sem_alloc : memref<!tpu.dma_semaphore, #tpu.memory_space<semaphore_mem>>
      %dma_start3A = tpu.memref_slice %arg3[%add3A] : memref<4096xi32, #tpu.memory_space<hbm>> -> memref<128xi32, #tpu.memory_space<hbm>>
      %dma_start3A_11 = tpu.memref_slice %arg3[%add3A] : memref<4096xi32, #tpu.memory_space<hbm>> -> memref<128xi32, #tpu.memory_space<hbm>>
      tpu.enqueue_dma source(%dma_start3A_11 : memref<128xi32, #tpu.memory_space<hbm>>) target(%arg6 : memref<128xi32, #tpu.memory_space<vmem>>) target_semaphore(%run_scoped3A : memref<!tpu.dma_semaphore, #tpu.memory_space<semaphore_mem>>)
      %dma_wait3A = tpu.memref_slice %arg3[%add3A] : memref<4096xi32, #tpu.memory_space<hbm>> -> memref<128xi32, #tpu.memory_space<hbm>>
      %dma_wait3A_12 = tpu.memref_slice %arg3[%add3A] : memref<4096xi32, #tpu.memory_space<hbm>> -> memref<128xi32, #tpu.memory_space<hbm>>
      tpu.wait_dma2 semaphore(%run_scoped3A : memref<!tpu.dma_semaphore, #tpu.memory_space<semaphore_mem>>) src(%dma_wait3A_12 : memref<128xi32, #tpu.memory_space<hbm>>) dst(%arg6 : memref<128xi32, #tpu.memory_space<vmem>>)
      tpu.yield
    }) : () -> ()
    "tpu.region"() ({
      %run_scoped3A = tpu.sem_alloc : memref<!tpu.dma_semaphore, #tpu.memory_space<semaphore_mem>>
      %dma_start3A = arith.constant 0 : i32
      %dma_start3A_11 = tpu.memref_slice %arg2[%add3A, %dma_start3A] : memref<4096x128xf32, #tpu.memory_space<hbm>> -> memref<128x128xf32, #tpu.memory_space<hbm>>
      %dma_start3A_12 = arith.constant 0 : i32
      %dma_start3A_13 = tpu.memref_slice %arg2[%add3A, %dma_start3A_12] : memref<4096x128xf32, #tpu.memory_space<hbm>> -> memref<128x128xf32, #tpu.memory_space<hbm>>
      tpu.enqueue_dma source(%dma_start3A_13 : memref<128x128xf32, #tpu.memory_space<hbm>>) target(%arg7 : memref<128x128xf32, #tpu.memory_space<vmem>>) target_semaphore(%run_scoped3A : memref<!tpu.dma_semaphore, #tpu.memory_space<semaphore_mem>>)
      %dma_wait3A = arith.constant 0 : i32
      %dma_wait3A_14 = tpu.memref_slice %arg2[%add3A, %dma_wait3A] : memref<4096x128xf32, #tpu.memory_space<hbm>> -> memref<128x128xf32, #tpu.memory_space<hbm>>
      %dma_wait3A_15 = arith.constant 0 : i32
      %dma_wait3A_16 = tpu.memref_slice %arg2[%add3A, %dma_wait3A_15] : memref<4096x128xf32, #tpu.memory_space<hbm>> -> memref<128x128xf32, #tpu.memory_space<hbm>>
      tpu.wait_dma2 semaphore(%run_scoped3A : memref<!tpu.dma_semaphore, #tpu.memory_space<semaphore_mem>>) src(%dma_wait3A_16 : memref<128x128xf32, #tpu.memory_space<hbm>>) dst(%arg7 : memref<128x128xf32, #tpu.memory_space<vmem>>)
      tpu.yield
    }) : () -> ()
    %barrier3A = arith.constant 0 : index
    tpu.barrier barrier_id(%barrier3A)
    "tpu.region"() ({
      %run_scoped3A = tpu.sem_alloc : memref<!tpu.dma_semaphore, #tpu.memory_space<semaphore_mem>>
      %dma_start3A = arith.constant 0 : i32
      %dma_start3A_11 = arith.constant 0 : i32
      %dma_start3A_12 = tpu.memref_slice %arg8[%dma_start3A, %dma_start3A_11] : memref<10240x128xf32, #tpu.memory_space<vmem_shared>> -> memref<10240x128xf32, #tpu.memory_space<vmem_shared>>
      tpu.enqueue_indirect_dma source(%arg7 : memref<128x128xf32, #tpu.memory_space<vmem>>) target(%dma_start3A_12 : memref<10240x128xf32, #tpu.memory_space<vmem_shared>>) offsets(%arg6 : memref<128xi32, #tpu.memory_space<vmem>>) semaphore(%run_scoped3A : memref<!tpu.dma_semaphore, #tpu.memory_space<semaphore_mem>>) {add = true}
      %dma_wait3A = arith.constant 0 : i32
      %dma_wait3A_13 = arith.constant 0 : i32
      %dma_wait3A_14 = tpu.memref_slice %arg8[%dma_wait3A, %dma_wait3A_13] : memref<10240x128xf32, #tpu.memory_space<vmem_shared>> -> memref<10240x128xf32, #tpu.memory_space<vmem_shared>>
      tpu.wait_indirect_dma semaphore(%run_scoped3A : memref<!tpu.dma_semaphore, #tpu.memory_space<semaphore_mem>>) src(%arg7 : memref<128x128xf32, #tpu.memory_space<vmem>>) dst(%dma_wait3A_14 : memref<10240x128xf32, #tpu.memory_space<vmem_shared>>)
      tpu.yield
    }) : () -> ()
    %barrier3A_10 = arith.constant 0 : index
    tpu.barrier barrier_id(%barrier3A_10)
    "tpu.region"() ({
      %run_scoped3A = tpu.sem_alloc : memref<!tpu.dma_semaphore, #tpu.memory_space<semaphore_mem>>
      %dma_start3A = arith.constant 0 : i32
      %dma_start3A_11 = tpu.memref_slice %arg5[%add3A_9, %dma_start3A] : memref<20480x128xf32, #tpu.memory_space<hbm>> -> memref<640x128xf32, #tpu.memory_space<hbm>>
      %dma_start3A_12 = arith.constant 0 : i32
      %dma_start3A_13 = tpu.memref_slice %arg8[%mul3A_4, %dma_start3A_12] : memref<10240x128xf32, #tpu.memory_space<vmem_shared>> -> memref<640x128xf32, #tpu.memory_space<vmem_shared>>
      tpu.enqueue_dma source(%dma_start3A_13 : memref<640x128xf32, #tpu.memory_space<vmem_shared>>) target(%dma_start3A_11 : memref<640x128xf32, #tpu.memory_space<hbm>>) target_semaphore(%run_scoped3A : memref<!tpu.dma_semaphore, #tpu.memory_space<semaphore_mem>>)
      %dma_wait3A = arith.constant 0 : i32
      %dma_wait3A_14 = tpu.memref_slice %arg5[%add3A_9, %dma_wait3A] : memref<20480x128xf32, #tpu.memory_space<hbm>> -> memref<640x128xf32, #tpu.memory_space<hbm>>
      %dma_wait3A_15 = arith.constant 0 : i32
      %dma_wait3A_16 = tpu.memref_slice %arg8[%mul3A_4, %dma_wait3A_15] : memref<10240x128xf32, #tpu.memory_space<vmem_shared>> -> memref<640x128xf32, #tpu.memory_space<vmem_shared>>
      tpu.wait_dma2 semaphore(%run_scoped3A : memref<!tpu.dma_semaphore, #tpu.memory_space<semaphore_mem>>) src(%dma_wait3A_16 : memref<640x128xf32, #tpu.memory_space<vmem_shared>>) dst(%dma_wait3A_14 : memref<640x128xf32, #tpu.memory_space<hbm>>)
      tpu.yield
    }) : () -> ()
    return
  }
}

#map = affine_map<(d0, d1) -> (0, 0)>
#map1 = affine_map<(d0, d1) -> (0)>
module attributes {stable_mosaic.version = 14 : i64} {
  func.func @gather_k(%arg0: i32, %arg1: i32, %arg2: memref<20000x128xf32, #tpu.memory_space<hbm>>, %arg3: memref<8192xi32, #tpu.memory_space<hbm>>, %arg4: memref<8192x128xf32, #tpu.memory_space<hbm>>, %arg5: memref<256xi32, #tpu.memory_space<vmem>>, %arg6: memref<256x128xf32, #tpu.memory_space<vmem>>, %arg7: memref<!tpu.dma_semaphore, #tpu.memory_space<semaphore_mem>>) attributes {dimension_semantics = [#tpu.dimension_semantics<core_parallel>, #tpu.dimension_semantics<subcore_parallel>], iteration_bounds = array<i64: 2, 16>, scalar_prefetch = 0 : i64, scratch_operands = 3 : i64, tpu.core_type = #tpu.core_type<sc_vector_subcore>, window_params = [{transform_indices = #map}, {transform_indices = #map1}, {transform_indices = #map}]} {
    %mul3A = arith.constant 2 : i32
    %mul3A_0 = arith.muli %arg1, %mul3A : i32
    %add3A = arith.addi %mul3A_0, %arg0 : i32
    %mul3A_1 = arith.constant 256 : i32
    %mul3A_2 = arith.muli %add3A, %mul3A_1 : i32
    "tpu.region"() ({
      %run_scoped3A = tpu.sem_alloc : memref<!tpu.dma_semaphore, #tpu.memory_space<semaphore_mem>>
      %dma_start3A_7 = tpu.memref_slice %arg3[%mul3A_2] : memref<8192xi32, #tpu.memory_space<hbm>> -> memref<256xi32, #tpu.memory_space<hbm>>
      %dma_start3A_8 = tpu.memref_slice %arg3[%mul3A_2] : memref<8192xi32, #tpu.memory_space<hbm>> -> memref<256xi32, #tpu.memory_space<hbm>>
      tpu.enqueue_dma source(%dma_start3A_8 : memref<256xi32, #tpu.memory_space<hbm>>) target(%arg5 : memref<256xi32, #tpu.memory_space<vmem>>) target_semaphore(%run_scoped3A : memref<!tpu.dma_semaphore, #tpu.memory_space<semaphore_mem>>)
      %dma_wait3A_9 = tpu.memref_slice %arg3[%mul3A_2] : memref<8192xi32, #tpu.memory_space<hbm>> -> memref<256xi32, #tpu.memory_space<hbm>>
      %dma_wait3A_10 = tpu.memref_slice %arg3[%mul3A_2] : memref<8192xi32, #tpu.memory_space<hbm>> -> memref<256xi32, #tpu.memory_space<hbm>>
      tpu.wait_dma2 semaphore(%run_scoped3A : memref<!tpu.dma_semaphore, #tpu.memory_space<semaphore_mem>>) src(%dma_wait3A_10 : memref<256xi32, #tpu.memory_space<hbm>>) dst(%arg5 : memref<256xi32, #tpu.memory_space<vmem>>)
      tpu.yield
    }) : () -> ()
    %dma_start3A = arith.constant 0 : i32
    %dma_start3A_3 = arith.constant 0 : i32
    %dma_start3A_4 = tpu.memref_slice %arg2[%dma_start3A, %dma_start3A_3] : memref<20000x128xf32, #tpu.memory_space<hbm>> -> memref<20000x128xf32, #tpu.memory_space<hbm>>
    tpu.enqueue_indirect_dma source(%dma_start3A_4 : memref<20000x128xf32, #tpu.memory_space<hbm>>) target(%arg6 : memref<256x128xf32, #tpu.memory_space<vmem>>) offsets(%arg5 : memref<256xi32, #tpu.memory_space<vmem>>) semaphore(%arg7 : memref<!tpu.dma_semaphore, #tpu.memory_space<semaphore_mem>>)
    %dma_wait3A = arith.constant 0 : i32
    %dma_wait3A_5 = arith.constant 0 : i32
    %dma_wait3A_6 = tpu.memref_slice %arg2[%dma_wait3A, %dma_wait3A_5] : memref<20000x128xf32, #tpu.memory_space<hbm>> -> memref<20000x128xf32, #tpu.memory_space<hbm>>
    tpu.wait_indirect_dma semaphore(%arg7 : memref<!tpu.dma_semaphore, #tpu.memory_space<semaphore_mem>>) src(%dma_wait3A_6 : memref<20000x128xf32, #tpu.memory_space<hbm>>) dst(%arg6 : memref<256x128xf32, #tpu.memory_space<vmem>>)
    "tpu.region"() ({
      %run_scoped3A = tpu.sem_alloc : memref<!tpu.dma_semaphore, #tpu.memory_space<semaphore_mem>>
      %dma_start3A_7 = arith.constant 0 : i32
      %dma_start3A_8 = tpu.memref_slice %arg4[%mul3A_2, %dma_start3A_7] : memref<8192x128xf32, #tpu.memory_space<hbm>> -> memref<256x128xf32, #tpu.memory_space<hbm>>
      %dma_start3A_9 = arith.constant 0 : i32
      %dma_start3A_10 = tpu.memref_slice %arg4[%mul3A_2, %dma_start3A_9] : memref<8192x128xf32, #tpu.memory_space<hbm>> -> memref<256x128xf32, #tpu.memory_space<hbm>>
      tpu.enqueue_dma source(%arg6 : memref<256x128xf32, #tpu.memory_space<vmem>>) target(%dma_start3A_10 : memref<256x128xf32, #tpu.memory_space<hbm>>) target_semaphore(%run_scoped3A : memref<!tpu.dma_semaphore, #tpu.memory_space<semaphore_mem>>)
      %dma_wait3A_11 = arith.constant 0 : i32
      %dma_wait3A_12 = tpu.memref_slice %arg4[%mul3A_2, %dma_wait3A_11] : memref<8192x128xf32, #tpu.memory_space<hbm>> -> memref<256x128xf32, #tpu.memory_space<hbm>>
      %dma_wait3A_13 = arith.constant 0 : i32
      %dma_wait3A_14 = tpu.memref_slice %arg4[%mul3A_2, %dma_wait3A_13] : memref<8192x128xf32, #tpu.memory_space<hbm>> -> memref<256x128xf32, #tpu.memory_space<hbm>>
      tpu.wait_dma2 semaphore(%run_scoped3A : memref<!tpu.dma_semaphore, #tpu.memory_space<semaphore_mem>>) src(%arg6 : memref<256x128xf32, #tpu.memory_space<vmem>>) dst(%dma_wait3A_14 : memref<256x128xf32, #tpu.memory_space<hbm>>)
      tpu.yield
    }) : () -> ()
    return
  }
}

module attributes {stable_mosaic.version = 14 : i64} {
  func.func @_ln_body(%arg0: i32, %arg1: memref<2000x128xf32, #tpu.memory_space<vmem>>, %arg2: memref<1x128xf32, #tpu.memory_space<vmem>>, %arg3: memref<1x128xf32, #tpu.memory_space<vmem>>, %arg4: memref<2000x128xf32, #tpu.memory_space<vmem>>) attributes {dimension_semantics = [#tpu.dimension_semantics<arbitrary>], iteration_bounds = array<i64: 10>, scalar_prefetch = 0 : i64, scratch_operands = 0 : i64, tpu.core_type = #tpu.core_type<tc>, window_params = [{transform_indices = @transform_0, window_bounds = array<i64: 2000, 128>}, {pipeline_mode = #tpu.pipeline_mode<synchronous>, transform_indices = @transform_1, window_bounds = array<i64: 1, 128>}, {pipeline_mode = #tpu.pipeline_mode<synchronous>, transform_indices = @transform_2, window_bounds = array<i64: 1, 128>}, {transform_indices = @transform_3, window_bounds = array<i64: 2000, 128>}]} {
    %get3A = arith.constant 0 : index
    %get3A_0 = arith.constant 0 : index
    %get3A_1 = vector.load %arg1[%get3A, %get3A_0] : memref<2000x128xf32, #tpu.memory_space<vmem>>, vector<2000x128xf32>
    %reduce_sum3A = arith.constant dense<0.000000e+00> : vector<2000xf32>
    %reduce_sum3A_2 = vector.multi_reduction <add>, %get3A_1, %reduce_sum3A [1] : vector<2000x128xf32> to vector<2000xf32>
    %broadcast_in_dim3A = vector.shape_cast %reduce_sum3A_2 : vector<2000xf32> to vector<2000x1xf32>
    %div3A = arith.constant 1.280000e+02 : f32
    %div3A_3 = vector.broadcast %div3A : f32 to vector<2000x1xf32>
    %div3A_4 = arith.divf %broadcast_in_dim3A, %div3A_3 : vector<2000x1xf32>
    %sub3A = vector.broadcast %div3A_4 : vector<2000x1xf32> to vector<2000x128xf32>
    %sub3A_5 = arith.subf %get3A_1, %sub3A : vector<2000x128xf32>
    %mul3A = arith.mulf %sub3A_5, %sub3A_5 : vector<2000x128xf32>
    %reduce_sum3A_6 = arith.constant dense<0.000000e+00> : vector<2000xf32>
    %reduce_sum3A_7 = vector.multi_reduction <add>, %mul3A, %reduce_sum3A_6 [1] : vector<2000x128xf32> to vector<2000xf32>
    %broadcast_in_dim3A_8 = vector.shape_cast %reduce_sum3A_7 : vector<2000xf32> to vector<2000x1xf32>
    %div3A_9 = arith.constant 1.280000e+02 : f32
    %div3A_10 = vector.broadcast %div3A_9 : f32 to vector<2000x1xf32>
    %div3A_11 = arith.divf %broadcast_in_dim3A_8, %div3A_10 : vector<2000x1xf32>
    %add3A = arith.constant 9.99999974E-6 : f32
    %add3A_12 = vector.broadcast %add3A : f32 to vector<2000x1xf32>
    %add3A_13 = arith.addf %div3A_11, %add3A_12 : vector<2000x1xf32>
    %rsqrt3A = math.rsqrt %add3A_13 : vector<2000x1xf32>
    %mul3A_14 = vector.broadcast %rsqrt3A : vector<2000x1xf32> to vector<2000x128xf32>
    %mul3A_15 = arith.mulf %sub3A_5, %mul3A_14 : vector<2000x128xf32>
    %get3A_16 = arith.constant 0 : index
    %get3A_17 = arith.constant 0 : index
    %get3A_18 = vector.load %arg2[%get3A_16, %get3A_17] : memref<1x128xf32, #tpu.memory_space<vmem>>, vector<1x128xf32>
    %mul3A_19 = vector.broadcast %get3A_18 : vector<1x128xf32> to vector<2000x128xf32>
    %mul3A_20 = arith.mulf %mul3A_15, %mul3A_19 : vector<2000x128xf32>
    %get3A_21 = arith.constant 0 : index
    %get3A_22 = arith.constant 0 : index
    %get3A_23 = vector.load %arg3[%get3A_21, %get3A_22] : memref<1x128xf32, #tpu.memory_space<vmem>>, vector<1x128xf32>
    %add3A_24 = vector.broadcast %get3A_23 : vector<1x128xf32> to vector<2000x128xf32>
    %add3A_25 = arith.addf %mul3A_20, %add3A_24 : vector<2000x128xf32>
    %swap3A = arith.constant 0 : index
    %swap3A_26 = arith.constant 0 : index
    %swap3A_27 = vector.load %arg4[%swap3A, %swap3A_26] : memref<2000x128xf32, #tpu.memory_space<vmem>>, vector<2000x128xf32>
    tpu.vector_store %arg4[%swap3A, %swap3A_26], %add3A_25 {strides = array<i32>} : memref<2000x128xf32, #tpu.memory_space<vmem>>, vector<2000x128xf32>,
    return
  }
  func.func @transform_0(%arg0: i32) -> (i32, i32) {
    %c0_i32 = arith.constant 0 : i32
    %c0_i32_0 = arith.constant 0 : i32
    return %arg0, %c0_i32 : i32, i32
  }
  func.func @transform_1(%arg0: i32) -> (i32, i32) {
    %c0_i32 = arith.constant 0 : i32
    %c0_i32_0 = arith.constant 0 : i32
    %c0_i32_1 = arith.constant 0 : i32
    return %c0_i32, %c0_i32_0 : i32, i32
  }
  func.func @transform_2(%arg0: i32) -> (i32, i32) {
    %c0_i32 = arith.constant 0 : i32
    %c0_i32_0 = arith.constant 0 : i32
    %c0_i32_1 = arith.constant 0 : i32
    return %c0_i32, %c0_i32_0 : i32, i32
  }
  func.func @transform_3(%arg0: i32) -> (i32, i32) {
    %c0_i32 = arith.constant 0 : i32
    %c0_i32_0 = arith.constant 0 : i32
    return %arg0, %c0_i32 : i32, i32
  }
}

module attributes {stable_mosaic.version = 14 : i64} {
  func.func @_proj_body(%arg0: i32, %arg1: memref<4096x128xf32, #tpu.memory_space<vmem>>, %arg2: memref<4096x128xf32, #tpu.memory_space<vmem>>, %arg3: memref<4096x128xf32, #tpu.memory_space<vmem>>, %arg4: memref<1x128xf32, #tpu.memory_space<vmem>>, %arg5: memref<1x128xf32, #tpu.memory_space<vmem>>, %arg6: memref<128x128xf32, #tpu.memory_space<vmem>>, %arg7: memref<1x128xf32, #tpu.memory_space<vmem>>, %arg8: memref<128x256xf32, #tpu.memory_space<vmem>>, %arg9: memref<1x256xf32, #tpu.memory_space<vmem>>, %arg10: memref<128x128xf32, #tpu.memory_space<vmem>>, %arg11: memref<1x128xf32, #tpu.memory_space<vmem>>, %arg12: memref<4096x128xf32, #tpu.memory_space<vmem>>, %arg13: memref<4096x128xf32, #tpu.memory_space<vmem>>, %arg14: memref<4096x128xf32, #tpu.memory_space<vmem>>) attributes {dimension_semantics = [#tpu.dimension_semantics<arbitrary>], iteration_bounds = array<i64: 1>, scalar_prefetch = 0 : i64, scratch_operands = 0 : i64, tpu.core_type = #tpu.core_type<tc>, window_params = [{pipeline_mode = #tpu.pipeline_mode<synchronous>, transform_indices = @transform_0, window_bounds = array<i64: 4096, 128>}, {pipeline_mode = #tpu.pipeline_mode<synchronous>, transform_indices = @transform_1, window_bounds = array<i64: 4096, 128>}, {pipeline_mode = #tpu.pipeline_mode<synchronous>, transform_indices = @transform_2, window_bounds = array<i64: 4096, 128>}, {pipeline_mode = #tpu.pipeline_mode<synchronous>, transform_indices = @transform_3, window_bounds = array<i64: 1, 128>}, {pipeline_mode = #tpu.pipeline_mode<synchronous>, transform_indices = @transform_4, window_bounds = array<i64: 1, 128>}, {pipeline_mode = #tpu.pipeline_mode<synchronous>, transform_indices = @transform_5, window_bounds = array<i64: 128, 128>}, {pipeline_mode = #tpu.pipeline_mode<synchronous>, transform_indices = @transform_6, window_bounds = array<i64: 1, 128>}, {pipeline_mode = #tpu.pipeline_mode<synchronous>, transform_indices = @transform_7, window_bounds = array<i64: 128, 256>}, {pipeline_mode = #tpu.pipeline_mode<synchronous>, transform_indices = @transform_8, window_bounds = array<i64: 1, 256>}, {pipeline_mode = #tpu.pipeline_mode<synchronous>, transform_indices = @transform_9, window_bounds = array<i64: 128, 128>}, {pipeline_mode = #tpu.pipeline_mode<synchronous>, transform_indices = @transform_10, window_bounds = array<i64: 1, 128>}, {pipeline_mode = #tpu.pipeline_mode<synchronous>, transform_indices = @transform_11, window_bounds = array<i64: 4096, 128>}, {pipeline_mode = #tpu.pipeline_mode<synchronous>, transform_indices = @transform_12, window_bounds = array<i64: 4096, 128>}, {pipeline_mode = #tpu.pipeline_mode<synchronous>, transform_indices = @transform_13, window_bounds = array<i64: 4096, 128>}]} {
    %get3A = arith.constant 0 : index
    %get3A_0 = arith.constant 0 : index
    %get3A_1 = vector.load %arg3[%get3A, %get3A_0] : memref<4096x128xf32, #tpu.memory_space<vmem>>, vector<4096x128xf32>
    %reduce_sum3A = arith.constant dense<0.000000e+00> : vector<4096xf32>
    %reduce_sum3A_2 = vector.multi_reduction <add>, %get3A_1, %reduce_sum3A [1] : vector<4096x128xf32> to vector<4096xf32>
    %broadcast_in_dim3A = vector.shape_cast %reduce_sum3A_2 : vector<4096xf32> to vector<4096x1xf32>
    %div3A = arith.constant 1.280000e+02 : f32
    %div3A_3 = vector.broadcast %div3A : f32 to vector<4096x1xf32>
    %div3A_4 = arith.divf %broadcast_in_dim3A, %div3A_3 : vector<4096x1xf32>
    %sub3A = vector.broadcast %div3A_4 : vector<4096x1xf32> to vector<4096x128xf32>
    %sub3A_5 = arith.subf %get3A_1, %sub3A : vector<4096x128xf32>
    %mul3A = arith.mulf %sub3A_5, %sub3A_5 : vector<4096x128xf32>
    %reduce_sum3A_6 = arith.constant dense<0.000000e+00> : vector<4096xf32>
    %reduce_sum3A_7 = vector.multi_reduction <add>, %mul3A, %reduce_sum3A_6 [1] : vector<4096x128xf32> to vector<4096xf32>
    %broadcast_in_dim3A_8 = vector.shape_cast %reduce_sum3A_7 : vector<4096xf32> to vector<4096x1xf32>
    %div3A_9 = arith.constant 1.280000e+02 : f32
    %div3A_10 = vector.broadcast %div3A_9 : f32 to vector<4096x1xf32>
    %div3A_11 = arith.divf %broadcast_in_dim3A_8, %div3A_10 : vector<4096x1xf32>
    %add3A = arith.constant 9.99999974E-6 : f32
    %add3A_12 = vector.broadcast %add3A : f32 to vector<4096x1xf32>
    %add3A_13 = arith.addf %div3A_11, %add3A_12 : vector<4096x1xf32>
    %rsqrt3A = math.rsqrt %add3A_13 : vector<4096x1xf32>
    %mul3A_14 = vector.broadcast %rsqrt3A : vector<4096x1xf32> to vector<4096x128xf32>
    %mul3A_15 = arith.mulf %sub3A_5, %mul3A_14 : vector<4096x128xf32>
    %get3A_16 = arith.constant 0 : index
    %get3A_17 = arith.constant 0 : index
    %get3A_18 = vector.load %arg4[%get3A_16, %get3A_17] : memref<1x128xf32, #tpu.memory_space<vmem>>, vector<1x128xf32>
    %mul3A_19 = vector.broadcast %get3A_18 : vector<1x128xf32> to vector<4096x128xf32>
    %mul3A_20 = arith.mulf %mul3A_15, %mul3A_19 : vector<4096x128xf32>
    %get3A_21 = arith.constant 0 : index
    %get3A_22 = arith.constant 0 : index
    %get3A_23 = vector.load %arg5[%get3A_21, %get3A_22] : memref<1x128xf32, #tpu.memory_space<vmem>>, vector<1x128xf32>
    %add3A_24 = vector.broadcast %get3A_23 : vector<1x128xf32> to vector<4096x128xf32>
    %add3A_25 = arith.addf %mul3A_20, %add3A_24 : vector<4096x128xf32>
    %get3A_26 = arith.constant 0 : index
    %get3A_27 = arith.constant 0 : index
    %get3A_28 = vector.load %arg10[%get3A_26, %get3A_27] : memref<128x128xf32, #tpu.memory_space<vmem>>, vector<128x128xf32>
    %dot_general3A = arith.constant dense<0.000000e+00> : vector<4096x128xf32>
    %dot_general3A_29 = tpu.matmul %add3A_25, %get3A_28, %dot_general3A {dimension_numbers = #tpu.dot_dimension_numbers<[1], [0], [0], [1], [0, 0, 1, 1], [], []>, transpose_lhs_hint = false} : vector<4096x128xf32>, vector<128x128xf32>, vector<4096x128xf32> -> vector<4096x128xf32>
    %get3A_30 = arith.constant 0 : index
    %get3A_31 = arith.constant 0 : index
    %get3A_32 = vector.load %arg11[%get3A_30, %get3A_31] : memref<1x128xf32, #tpu.memory_space<vmem>>, vector<1x128xf32>
    %add3A_33 = vector.broadcast %get3A_32 : vector<1x128xf32> to vector<4096x128xf32>
    %add3A_34 = arith.addf %dot_general3A_29, %add3A_33 : vector<4096x128xf32>
    %get3A_35 = arith.constant 0 : index
    %get3A_36 = arith.constant 0 : index
    %get3A_37 = vector.load %arg2[%get3A_35, %get3A_36] : memref<4096x128xf32, #tpu.memory_space<vmem>>, vector<4096x128xf32>
    %get3A_38 = arith.constant 0 : index
    %get3A_39 = arith.constant 0 : index
    %get3A_40 = vector.load %arg6[%get3A_38, %get3A_39] : memref<128x128xf32, #tpu.memory_space<vmem>>, vector<128x128xf32>
    %dot_general3A_41 = arith.constant dense<0.000000e+00> : vector<4096x128xf32>
    %dot_general3A_42 = tpu.matmul %get3A_37, %get3A_40, %dot_general3A_41 {dimension_numbers = #tpu.dot_dimension_numbers<[1], [0], [0], [1], [0, 0, 1, 1], [], []>, transpose_lhs_hint = false} : vector<4096x128xf32>, vector<128x128xf32>, vector<4096x128xf32> -> vector<4096x128xf32>
    %get3A_43 = arith.constant 0 : index
    %get3A_44 = arith.constant 0 : index
    %get3A_45 = vector.load %arg7[%get3A_43, %get3A_44] : memref<1x128xf32, #tpu.memory_space<vmem>>, vector<1x128xf32>
    %add3A_46 = vector.broadcast %get3A_45 : vector<1x128xf32> to vector<4096x128xf32>
    %add3A_47 = arith.addf %dot_general3A_42, %add3A_46 : vector<4096x128xf32>
    %add3A_48 = arith.addf %add3A_47, %add3A_34 : vector<4096x128xf32>
    %get3A_49 = arith.constant 0 : index
    %get3A_50 = arith.constant 0 : index
    %get3A_51 = vector.load %arg1[%get3A_49, %get3A_50] : memref<4096x128xf32, #tpu.memory_space<vmem>>, vector<4096x128xf32>
    %get3A_52 = arith.constant 0 : index
    %get3A_53 = arith.constant 0 : index
    %get3A_54 = vector.load %arg8[%get3A_52, %get3A_53] : memref<128x256xf32, #tpu.memory_space<vmem>>, vector<128x256xf32>
    %dot_general3A_55 = arith.constant dense<0.000000e+00> : vector<4096x256xf32>
    %dot_general3A_56 = tpu.matmul %get3A_51, %get3A_54, %dot_general3A_55 {dimension_numbers = #tpu.dot_dimension_numbers<[1], [0], [0], [1], [0, 0, 1, 1], [], []>, transpose_lhs_hint = false} : vector<4096x128xf32>, vector<128x256xf32>, vector<4096x256xf32> -> vector<4096x256xf32>
    %get3A_57 = arith.constant 0 : index
    %get3A_58 = arith.constant 0 : index
    %get3A_59 = vector.load %arg9[%get3A_57, %get3A_58] : memref<1x256xf32, #tpu.memory_space<vmem>>, vector<1x256xf32>
    %add3A_60 = vector.broadcast %get3A_59 : vector<1x256xf32> to vector<4096x256xf32>
    %add3A_61 = arith.addf %dot_general3A_56, %add3A_60 : vector<4096x256xf32>
    %swap3A = arith.constant 0 : index
    %swap3A_62 = arith.constant 0 : index
    %swap3A_63 = vector.load %arg12[%swap3A, %swap3A_62] : memref<4096x128xf32, #tpu.memory_space<vmem>>, vector<4096x128xf32>
    tpu.vector_store %arg12[%swap3A, %swap3A_62], %add3A_48 {strides = array<i32>} : memref<4096x128xf32, #tpu.memory_space<vmem>>, vector<4096x128xf32>,
    %slice3A = vector.extract_strided_slice %add3A_61 {offsets = [0, 0], sizes = [4096, 128], strides = [1, 1]} : vector<4096x256xf32> to vector<4096x128xf32>
    %swap3A_64 = arith.constant 0 : index
    %swap3A_65 = arith.constant 0 : index
    %swap3A_66 = vector.load %arg13[%swap3A_64, %swap3A_65] : memref<4096x128xf32, #tpu.memory_space<vmem>>, vector<4096x128xf32>
    tpu.vector_store %arg13[%swap3A_64, %swap3A_65], %slice3A {strides = array<i32>} : memref<4096x128xf32, #tpu.memory_space<vmem>>, vector<4096x128xf32>,
    %slice3A_67 = vector.extract_strided_slice %add3A_61 {offsets = [0, 128], sizes = [4096, 128], strides = [1, 1]} : vector<4096x256xf32> to vector<4096x128xf32>
    %swap3A_68 = arith.constant 0 : index
    %swap3A_69 = arith.constant 0 : index
    %swap3A_70 = vector.load %arg14[%swap3A_68, %swap3A_69] : memref<4096x128xf32, #tpu.memory_space<vmem>>, vector<4096x128xf32>
    tpu.vector_store %arg14[%swap3A_68, %swap3A_69], %slice3A_67 {strides = array<i32>} : memref<4096x128xf32, #tpu.memory_space<vmem>>, vector<4096x128xf32>,
    return
  }
  func.func @transform_0(%arg0: i32) -> (i32, i32) {
    %c0_i32 = arith.constant 0 : i32
    %c0_i32_0 = arith.constant 0 : i32
    %c0_i32_1 = arith.constant 0 : i32
    return %c0_i32, %c0_i32_0 : i32, i32
  }
  func.func @transform_1(%arg0: i32) -> (i32, i32) {
    %c0_i32 = arith.constant 0 : i32
    %c0_i32_0 = arith.constant 0 : i32
    %c0_i32_1 = arith.constant 0 : i32
    return %c0_i32, %c0_i32_0 : i32, i32
  }
  func.func @transform_2(%arg0: i32) -> (i32, i32) {
    %c0_i32 = arith.constant 0 : i32
    %c0_i32_0 = arith.constant 0 : i32
    %c0_i32_1 = arith.constant 0 : i32
    return %c0_i32, %c0_i32_0 : i32, i32
  }
  func.func @transform_3(%arg0: i32) -> (i32, i32) {
    %c0_i32 = arith.constant 0 : i32
    %c0_i32_0 = arith.constant 0 : i32
    %c0_i32_1 = arith.constant 0 : i32
    return %c0_i32, %c0_i32_0 : i32, i32
  }
  func.func @transform_4(%arg0: i32) -> (i32, i32) {
    %c0_i32 = arith.constant 0 : i32
    %c0_i32_0 = arith.constant 0 : i32
    %c0_i32_1 = arith.constant 0 : i32
    return %c0_i32, %c0_i32_0 : i32, i32
  }
  func.func @transform_5(%arg0: i32) -> (i32, i32) {
    %c0_i32 = arith.constant 0 : i32
    %c0_i32_0 = arith.constant 0 : i32
    %c0_i32_1 = arith.constant 0 : i32
    return %c0_i32, %c0_i32_0 : i32, i32
  }
  func.func @transform_6(%arg0: i32) -> (i32, i32) {
    %c0_i32 = arith.constant 0 : i32
    %c0_i32_0 = arith.constant 0 : i32
    %c0_i32_1 = arith.constant 0 : i32
    return %c0_i32, %c0_i32_0 : i32, i32
  }
  func.func @transform_7(%arg0: i32) -> (i32, i32) {
    %c0_i32 = arith.constant 0 : i32
    %c0_i32_0 = arith.constant 0 : i32
    %c0_i32_1 = arith.constant 0 : i32
    return %c0_i32, %c0_i32_0 : i32, i32
  }
  func.func @transform_8(%arg0: i32) -> (i32, i32) {
    %c0_i32 = arith.constant 0 : i32
    %c0_i32_0 = arith.constant 0 : i32
    %c0_i32_1 = arith.constant 0 : i32
    return %c0_i32, %c0_i32_0 : i32, i32
  }
  func.func @transform_9(%arg0: i32) -> (i32, i32) {
    %c0_i32 = arith.constant 0 : i32
    %c0_i32_0 = arith.constant 0 : i32
    %c0_i32_1 = arith.constant 0 : i32
    return %c0_i32, %c0_i32_0 : i32, i32
  }
  func.func @transform_10(%arg0: i32) -> (i32, i32) {
    %c0_i32 = arith.constant 0 : i32
    %c0_i32_0 = arith.constant 0 : i32
    %c0_i32_1 = arith.constant 0 : i32
    return %c0_i32, %c0_i32_0 : i32, i32
  }
  func.func @transform_11(%arg0: i32) -> (i32, i32) {
    %c0_i32 = arith.constant 0 : i32
    %c0_i32_0 = arith.constant 0 : i32
    %c0_i32_1 = arith.constant 0 : i32
    return %c0_i32, %c0_i32_0 : i32, i32
  }
  func.func @transform_12(%arg0: i32) -> (i32, i32) {
    %c0_i32 = arith.constant 0 : i32
    %c0_i32_0 = arith.constant 0 : i32
    %c0_i32_1 = arith.constant 0 : i32
    return %c0_i32, %c0_i32_0 : i32, i32
  }
  func.func @transform_13(%arg0: i32) -> (i32, i32) {
    %c0_i32 = arith.constant 0 : i32
    %c0_i32_0 = arith.constant 0 : i32
    %c0_i32_1 = arith.constant 0 : i32
    return %c0_i32, %c0_i32_0 : i32, i32
  }
}

module attributes {stable_mosaic.version = 14 : i64} {
  func.func @_attn_body(%arg0: i32, %arg1: i32, %arg2: memref<1x256x128xf32, #tpu.memory_space<vmem>>, %arg3: memref<1x2048x128xf32, #tpu.memory_space<vmem>>, %arg4: memref<1x2048x128xf32, #tpu.memory_space<vmem>>, %arg5: memref<1x256x128xf32, #tpu.memory_space<vmem>>, %arg6: memref<1x128xf32, #tpu.memory_space<vmem>>, %arg7: memref<1x128xf32, #tpu.memory_space<vmem>>, %arg8: memref<128x512xf32, #tpu.memory_space<vmem>>, %arg9: memref<1x512xf32, #tpu.memory_space<vmem>>, %arg10: memref<512x128xf32, #tpu.memory_space<vmem>>, %arg11: memref<1x128xf32, #tpu.memory_space<vmem>>, %arg12: memref<1x256x128xf32, #tpu.memory_space<vmem>>) attributes {dimension_semantics = [#tpu.dimension_semantics<arbitrary>, #tpu.dimension_semantics<arbitrary>], iteration_bounds = array<i64: 2, 8>, scalar_prefetch = 0 : i64, scratch_operands = 0 : i64, tpu.core_type = #tpu.core_type<tc>, window_params = [{transform_indices = @transform_0, window_bounds = array<i64: 1, 256, 128>}, {transform_indices = @transform_1, window_bounds = array<i64: 1, 2048, 128>}, {transform_indices = @transform_2, window_bounds = array<i64: 1, 2048, 128>}, {transform_indices = @transform_3, window_bounds = array<i64: 1, 256, 128>}, {pipeline_mode = #tpu.pipeline_mode<synchronous>, transform_indices = @transform_4, window_bounds = array<i64: 1, 128>}, {pipeline_mode = #tpu.pipeline_mode<synchronous>, transform_indices = @transform_5, window_bounds = array<i64: 1, 128>}, {pipeline_mode = #tpu.pipeline_mode<synchronous>, transform_indices = @transform_6, window_bounds = array<i64: 128, 512>}, {pipeline_mode = #tpu.pipeline_mode<synchronous>, transform_indices = @transform_7, window_bounds = array<i64: 1, 512>}, {pipeline_mode = #tpu.pipeline_mode<synchronous>, transform_indices = @transform_8, window_bounds = array<i64: 512, 128>}, {pipeline_mode = #tpu.pipeline_mode<synchronous>, transform_indices = @transform_9, window_bounds = array<i64: 1, 128>}, {transform_indices = @transform_10, window_bounds = array<i64: 1, 256, 128>}]} {
    %get3A = arith.constant 0 : index
    %get3A_0 = arith.constant 0 : index
    %get3A_1 = arith.constant 0 : index
    %get3A_2 = vector.load %arg2[%get3A, %get3A_0, %get3A_1] : memref<1x256x128xf32, #tpu.memory_space<vmem>>, vector<1x256x128xf32>
    %get3A_3 = vector.shape_cast %get3A_2 : vector<1x256x128xf32> to vector<256x128xf32>
    %get3A_4 = arith.constant 0 : index
    %get3A_5 = arith.constant 0 : index
    %get3A_6 = arith.constant 0 : index
    %get3A_7 = vector.load %arg3[%get3A_4, %get3A_5, %get3A_6] : memref<1x2048x128xf32, #tpu.memory_space<vmem>>, vector<1x2048x128xf32>
    %get3A_8 = vector.shape_cast %get3A_7 : vector<1x2048x128xf32> to vector<2048x128xf32>
    %get3A_9 = arith.constant 0 : index
    %get3A_10 = arith.constant 0 : index
    %get3A_11 = arith.constant 0 : index
    %get3A_12 = vector.load %arg4[%get3A_9, %get3A_10, %get3A_11] : memref<1x2048x128xf32, #tpu.memory_space<vmem>>, vector<1x2048x128xf32>
    %get3A_13 = vector.shape_cast %get3A_12 : vector<1x2048x128xf32> to vector<2048x128xf32>
    %iota3A = tpu.iota {dimensions = array<i32: 1>} : vector<1x128xi32>
    %jit3A = arith.constant 8 : i32
    %div3A = vector.broadcast %jit3A : i32 to vector<1x128xi32>
    %div3A_14 = arith.divsi %iota3A, %div3A : vector<1x128xi32>
    %sign3A = arith.constant 0 : i32
    %sign3A_15 = vector.broadcast %sign3A : i32 to vector<1x128xi32>
    %sign3A_16 = arith.cmpi sgt, %iota3A, %sign3A_15 : vector<1x128xi32>
    %sign3A_17 = arith.extui %sign3A_16 : vector<1x128xi1> to vector<1x128xi32>
    %sign3A_18 = arith.constant 0 : i32
    %sign3A_19 = vector.broadcast %sign3A_18 : i32 to vector<1x128xi32>
    %sign3A_20 = arith.cmpi slt, %iota3A, %sign3A_19 : vector<1x128xi32>
    %sign3A_21 = arith.extui %sign3A_20 : vector<1x128xi1> to vector<1x128xi32>
    %sign3A_22 = arith.subi %sign3A_17, %sign3A_21 : vector<1x128xi32>
    %sign3A_23 = arith.constant 0 : i32
    %sign3A_24 = arith.cmpi sgt, %jit3A, %sign3A_23 : i32
    %sign3A_25 = arith.extui %sign3A_24 : i1 to i32
    %sign3A_26 = arith.constant 0 : i32
    %sign3A_27 = arith.cmpi slt, %jit3A, %sign3A_26 : i32
    %sign3A_28 = arith.extui %sign3A_27 : i1 to i32
    %sign3A_29 = arith.subi %sign3A_25, %sign3A_28 : i32
    %ne3A = vector.broadcast %sign3A_29 : i32 to vector<1x128xi32>
    %ne3A_30 = arith.cmpi ne, %sign3A_22, %ne3A : vector<1x128xi32>
    %rem3A = vector.broadcast %jit3A : i32 to vector<1x128xi32>
    %rem3A_31 = arith.remsi %iota3A, %rem3A : vector<1x128xi32>
    %ne3A_32 = arith.constant 0 : i32
    %ne3A_33 = vector.broadcast %ne3A_32 : i32 to vector<1x128xi32>
    %ne3A_34 = arith.cmpi ne, %rem3A_31, %ne3A_33 : vector<1x128xi32>
    %and3A = arith.andi %ne3A_30, %ne3A_34 : vector<1x128xi1>
    %sub3A = arith.constant 1 : i32
    %sub3A_35 = vector.broadcast %sub3A : i32 to vector<1x128xi32>
    %sub3A_36 = arith.subi %div3A_14, %sub3A_35 : vector<1x128xi32>
    %select_n3A = arith.select %and3A, %sub3A_36, %div3A_14 : vector<1x128xi1>, vector<1x128xi32>
    %broadcast_in_dim3A = arith.constant 0.000000e+00 : f32
    %broadcast_in_dim3A_37 = vector.broadcast %broadcast_in_dim3A : f32 to vector<256x128xf32>
    %eq3A = arith.constant 0 : i32
    %eq3A_38 = vector.broadcast %eq3A : i32 to vector<1x128xi32>
    %eq3A_39 = arith.cmpi eq, %select_n3A, %eq3A_38 : vector<1x128xi32>
    %convert_element_type3A = arith.extui %eq3A_39 : vector<1x128xi1> to vector<1x128xi32>
    %convert_element_type3A_40 = arith.sitofp %convert_element_type3A : vector<1x128xi32> to vector<1x128xf32>
    %mul3A = vector.broadcast %convert_element_type3A_40 : vector<1x128xf32> to vector<2048x128xf32>
    %mul3A_41 = arith.mulf %get3A_8, %mul3A : vector<2048x128xf32>
    %dot_general3A = arith.constant dense<0.000000e+00> : vector<256x2048xf32>
    %dot_general3A_42 = tpu.matmul %get3A_3, %mul3A_41, %dot_general3A {dimension_numbers = #tpu.dot_dimension_numbers<[1], [1], [0], [0], [0, 0, 1, 0], [], []>, transpose_lhs_hint = false} : vector<256x128xf32>, vector<2048x128xf32>, vector<256x2048xf32> -> vector<256x2048xf32>
    %mul3A_43 = arith.constant 0.353553385 : f32
    %mul3A_44 = vector.broadcast %mul3A_43 : f32 to vector<256x2048xf32>
    %mul3A_45 = arith.mulf %dot_general3A_42, %mul3A_44 : vector<256x2048xf32>
    %reduce_max3A = arith.constant dense<0xFF800000> : vector<256xf32>
    %reduce_max3A_46 = vector.multi_reduction <maximumf>, %mul3A_45, %reduce_max3A [1] : vector<256x2048xf32> to vector<256xf32>
    %broadcast_in_dim3A_47 = vector.shape_cast %reduce_max3A_46 : vector<256xf32> to vector<256x1xf32>
    %sub3A_48 = vector.broadcast %broadcast_in_dim3A_47 : vector<256x1xf32> to vector<256x2048xf32>
    %sub3A_49 = arith.subf %mul3A_45, %sub3A_48 : vector<256x2048xf32>
    %exp3A = math.exp %sub3A_49 : vector<256x2048xf32>
    %reduce_sum3A = arith.constant dense<0.000000e+00> : vector<256xf32>
    %reduce_sum3A_50 = vector.multi_reduction <add>, %exp3A, %reduce_sum3A [1] : vector<256x2048xf32> to vector<256xf32>
    %broadcast_in_dim3A_51 = vector.shape_cast %reduce_sum3A_50 : vector<256xf32> to vector<256x1xf32>
    %mul3A_52 = vector.broadcast %convert_element_type3A_40 : vector<1x128xf32> to vector<2048x128xf32>
    %mul3A_53 = arith.mulf %get3A_13, %mul3A_52 : vector<2048x128xf32>
    %dot_general3A_54 = arith.constant dense<0.000000e+00> : vector<256x128xf32>
    %dot_general3A_55 = tpu.matmul %exp3A, %mul3A_53, %dot_general3A_54 {dimension_numbers = #tpu.dot_dimension_numbers<[1], [0], [0], [1], [0, 0, 1, 1], [], []>, transpose_lhs_hint = false} : vector<256x2048xf32>, vector<2048x128xf32>, vector<256x128xf32> -> vector<256x128xf32>
    %div3A_56 = vector.broadcast %broadcast_in_dim3A_51 : vector<256x1xf32> to vector<256x128xf32>
    %div3A_57 = arith.divf %dot_general3A_55, %div3A_56 : vector<256x128xf32>
    %add3A = arith.addf %broadcast_in_dim3A_37, %div3A_57 : vector<256x128xf32>
    %eq3A_58 = arith.constant 1 : i32
    %eq3A_59 = vector.broadcast %eq3A_58 : i32 to vector<1x128xi32>
    %eq3A_60 = arith.cmpi eq, %select_n3A, %eq3A_59 : vector<1x128xi32>
    %convert_element_type3A_61 = arith.extui %eq3A_60 : vector<1x128xi1> to vector<1x128xi32>
    %convert_element_type3A_62 = arith.sitofp %convert_element_type3A_61 : vector<1x128xi32> to vector<1x128xf32>
    %mul3A_63 = vector.broadcast %convert_element_type3A_62 : vector<1x128xf32> to vector<2048x128xf32>
    %mul3A_64 = arith.mulf %get3A_8, %mul3A_63 : vector<2048x128xf32>
    %dot_general3A_65 = arith.constant dense<0.000000e+00> : vector<256x2048xf32>
    %dot_general3A_66 = tpu.matmul %get3A_3, %mul3A_64, %dot_general3A_65 {dimension_numbers = #tpu.dot_dimension_numbers<[1], [1], [0], [0], [0, 0, 1, 0], [], []>, transpose_lhs_hint = false} : vector<256x128xf32>, vector<2048x128xf32>, vector<256x2048xf32> -> vector<256x2048xf32>
    %mul3A_67 = arith.constant 0.353553385 : f32
    %mul3A_68 = vector.broadcast %mul3A_67 : f32 to vector<256x2048xf32>
    %mul3A_69 = arith.mulf %dot_general3A_66, %mul3A_68 : vector<256x2048xf32>
    %reduce_max3A_70 = arith.constant dense<0xFF800000> : vector<256xf32>
    %reduce_max3A_71 = vector.multi_reduction <maximumf>, %mul3A_69, %reduce_max3A_70 [1] : vector<256x2048xf32> to vector<256xf32>
    %broadcast_in_dim3A_72 = vector.shape_cast %reduce_max3A_71 : vector<256xf32> to vector<256x1xf32>
    %sub3A_73 = vector.broadcast %broadcast_in_dim3A_72 : vector<256x1xf32> to vector<256x2048xf32>
    %sub3A_74 = arith.subf %mul3A_69, %sub3A_73 : vector<256x2048xf32>
    %exp3A_75 = math.exp %sub3A_74 : vector<256x2048xf32>
    %reduce_sum3A_76 = arith.constant dense<0.000000e+00> : vector<256xf32>
    %reduce_sum3A_77 = vector.multi_reduction <add>, %exp3A_75, %reduce_sum3A_76 [1] : vector<256x2048xf32> to vector<256xf32>
    %broadcast_in_dim3A_78 = vector.shape_cast %reduce_sum3A_77 : vector<256xf32> to vector<256x1xf32>
    %mul3A_79 = vector.broadcast %convert_element_type3A_62 : vector<1x128xf32> to vector<2048x128xf32>
    %mul3A_80 = arith.mulf %get3A_13, %mul3A_79 : vector<2048x128xf32>
    %dot_general3A_81 = arith.constant dense<0.000000e+00> : vector<256x128xf32>
    %dot_general3A_82 = tpu.matmul %exp3A_75, %mul3A_80, %dot_general3A_81 {dimension_numbers = #tpu.dot_dimension_numbers<[1], [0], [0], [1], [0, 0, 1, 1], [], []>, transpose_lhs_hint = false} : vector<256x2048xf32>, vector<2048x128xf32>, vector<256x128xf32> -> vector<256x128xf32>
    %div3A_83 = vector.broadcast %broadcast_in_dim3A_78 : vector<256x1xf32> to vector<256x128xf32>
    %div3A_84 = arith.divf %dot_general3A_82, %div3A_83 : vector<256x128xf32>
    %add3A_85 = arith.addf %add3A, %div3A_84 : vector<256x128xf32>
    %eq3A_86 = arith.constant 2 : i32
    %eq3A_87 = vector.broadcast %eq3A_86 : i32 to vector<1x128xi32>
    %eq3A_88 = arith.cmpi eq, %select_n3A, %eq3A_87 : vector<1x128xi32>
    %convert_element_type3A_89 = arith.extui %eq3A_88 : vector<1x128xi1> to vector<1x128xi32>
    %convert_element_type3A_90 = arith.sitofp %convert_element_type3A_89 : vector<1x128xi32> to vector<1x128xf32>
    %mul3A_91 = vector.broadcast %convert_element_type3A_90 : vector<1x128xf32> to vector<2048x128xf32>
    %mul3A_92 = arith.mulf %get3A_8, %mul3A_91 : vector<2048x128xf32>
    %dot_general3A_93 = arith.constant dense<0.000000e+00> : vector<256x2048xf32>
    %dot_general3A_94 = tpu.matmul %get3A_3, %mul3A_92, %dot_general3A_93 {dimension_numbers = #tpu.dot_dimension_numbers<[1], [1], [0], [0], [0, 0, 1, 0], [], []>, transpose_lhs_hint = false} : vector<256x128xf32>, vector<2048x128xf32>, vector<256x2048xf32> -> vector<256x2048xf32>
    %mul3A_95 = arith.constant 0.353553385 : f32
    %mul3A_96 = vector.broadcast %mul3A_95 : f32 to vector<256x2048xf32>
    %mul3A_97 = arith.mulf %dot_general3A_94, %mul3A_96 : vector<256x2048xf32>
    %reduce_max3A_98 = arith.constant dense<0xFF800000> : vector<256xf32>
    %reduce_max3A_99 = vector.multi_reduction <maximumf>, %mul3A_97, %reduce_max3A_98 [1] : vector<256x2048xf32> to vector<256xf32>
    %broadcast_in_dim3A_100 = vector.shape_cast %reduce_max3A_99 : vector<256xf32> to vector<256x1xf32>
    %sub3A_101 = vector.broadcast %broadcast_in_dim3A_100 : vector<256x1xf32> to vector<256x2048xf32>
    %sub3A_102 = arith.subf %mul3A_97, %sub3A_101 : vector<256x2048xf32>
    %exp3A_103 = math.exp %sub3A_102 : vector<256x2048xf32>
    %reduce_sum3A_104 = arith.constant dense<0.000000e+00> : vector<256xf32>
    %reduce_sum3A_105 = vector.multi_reduction <add>, %exp3A_103, %reduce_sum3A_104 [1] : vector<256x2048xf32> to vector<256xf32>
    %broadcast_in_dim3A_106 = vector.shape_cast %reduce_sum3A_105 : vector<256xf32> to vector<256x1xf32>
    %mul3A_107 = vector.broadcast %convert_element_type3A_90 : vector<1x128xf32> to vector<2048x128xf32>
    %mul3A_108 = arith.mulf %get3A_13, %mul3A_107 : vector<2048x128xf32>
    %dot_general3A_109 = arith.constant dense<0.000000e+00> : vector<256x128xf32>
    %dot_general3A_110 = tpu.matmul %exp3A_103, %mul3A_108, %dot_general3A_109 {dimension_numbers = #tpu.dot_dimension_numbers<[1], [0], [0], [1], [0, 0, 1, 1], [], []>, transpose_lhs_hint = false} : vector<256x2048xf32>, vector<2048x128xf32>, vector<256x128xf32> -> vector<256x128xf32>
    %div3A_111 = vector.broadcast %broadcast_in_dim3A_106 : vector<256x1xf32> to vector<256x128xf32>
    %div3A_112 = arith.divf %dot_general3A_110, %div3A_111 : vector<256x128xf32>
    %add3A_113 = arith.addf %add3A_85, %div3A_112 : vector<256x128xf32>
    %eq3A_114 = arith.constant 3 : i32
    %eq3A_115 = vector.broadcast %eq3A_114 : i32 to vector<1x128xi32>
    %eq3A_116 = arith.cmpi eq, %select_n3A, %eq3A_115 : vector<1x128xi32>
    %convert_element_type3A_117 = arith.extui %eq3A_116 : vector<1x128xi1> to vector<1x128xi32>
    %convert_element_type3A_118 = arith.sitofp %convert_element_type3A_117 : vector<1x128xi32> to vector<1x128xf32>
    %mul3A_119 = vector.broadcast %convert_element_type3A_118 : vector<1x128xf32> to vector<2048x128xf32>
    %mul3A_120 = arith.mulf %get3A_8, %mul3A_119 : vector<2048x128xf32>
    %dot_general3A_121 = arith.constant dense<0.000000e+00> : vector<256x2048xf32>
    %dot_general3A_122 = tpu.matmul %get3A_3, %mul3A_120, %dot_general3A_121 {dimension_numbers = #tpu.dot_dimension_numbers<[1], [1], [0], [0], [0, 0, 1, 0], [], []>, transpose_lhs_hint = false} : vector<256x128xf32>, vector<2048x128xf32>, vector<256x2048xf32> -> vector<256x2048xf32>
    %mul3A_123 = arith.constant 0.353553385 : f32
    %mul3A_124 = vector.broadcast %mul3A_123 : f32 to vector<256x2048xf32>
    %mul3A_125 = arith.mulf %dot_general3A_122, %mul3A_124 : vector<256x2048xf32>
    %reduce_max3A_126 = arith.constant dense<0xFF800000> : vector<256xf32>
    %reduce_max3A_127 = vector.multi_reduction <maximumf>, %mul3A_125, %reduce_max3A_126 [1] : vector<256x2048xf32> to vector<256xf32>
    %broadcast_in_dim3A_128 = vector.shape_cast %reduce_max3A_127 : vector<256xf32> to vector<256x1xf32>
    %sub3A_129 = vector.broadcast %broadcast_in_dim3A_128 : vector<256x1xf32> to vector<256x2048xf32>
    %sub3A_130 = arith.subf %mul3A_125, %sub3A_129 : vector<256x2048xf32>
    %exp3A_131 = math.exp %sub3A_130 : vector<256x2048xf32>
    %reduce_sum3A_132 = arith.constant dense<0.000000e+00> : vector<256xf32>
    %reduce_sum3A_133 = vector.multi_reduction <add>, %exp3A_131, %reduce_sum3A_132 [1] : vector<256x2048xf32> to vector<256xf32>
    %broadcast_in_dim3A_134 = vector.shape_cast %reduce_sum3A_133 : vector<256xf32> to vector<256x1xf32>
    %mul3A_135 = vector.broadcast %convert_element_type3A_118 : vector<1x128xf32> to vector<2048x128xf32>
    %mul3A_136 = arith.mulf %get3A_13, %mul3A_135 : vector<2048x128xf32>
    %dot_general3A_137 = arith.constant dense<0.000000e+00> : vector<256x128xf32>
    %dot_general3A_138 = tpu.matmul %exp3A_131, %mul3A_136, %dot_general3A_137 {dimension_numbers = #tpu.dot_dimension_numbers<[1], [0], [0], [1], [0, 0, 1, 1], [], []>, transpose_lhs_hint = false} : vector<256x2048xf32>, vector<2048x128xf32>, vector<256x128xf32> -> vector<256x128xf32>
    %div3A_139 = vector.broadcast %broadcast_in_dim3A_134 : vector<256x1xf32> to vector<256x128xf32>
    %div3A_140 = arith.divf %dot_general3A_138, %div3A_139 : vector<256x128xf32>
    %add3A_141 = arith.addf %add3A_113, %div3A_140 : vector<256x128xf32>
    %eq3A_142 = arith.constant 4 : i32
    %eq3A_143 = vector.broadcast %eq3A_142 : i32 to vector<1x128xi32>
    %eq3A_144 = arith.cmpi eq, %select_n3A, %eq3A_143 : vector<1x128xi32>
    %convert_element_type3A_145 = arith.extui %eq3A_144 : vector<1x128xi1> to vector<1x128xi32>
    %convert_element_type3A_146 = arith.sitofp %convert_element_type3A_145 : vector<1x128xi32> to vector<1x128xf32>
    %mul3A_147 = vector.broadcast %convert_element_type3A_146 : vector<1x128xf32> to vector<2048x128xf32>
    %mul3A_148 = arith.mulf %get3A_8, %mul3A_147 : vector<2048x128xf32>
    %dot_general3A_149 = arith.constant dense<0.000000e+00> : vector<256x2048xf32>
    %dot_general3A_150 = tpu.matmul %get3A_3, %mul3A_148, %dot_general3A_149 {dimension_numbers = #tpu.dot_dimension_numbers<[1], [1], [0], [0], [0, 0, 1, 0], [], []>, transpose_lhs_hint = false} : vector<256x128xf32>, vector<2048x128xf32>, vector<256x2048xf32> -> vector<256x2048xf32>
    %mul3A_151 = arith.constant 0.353553385 : f32
    %mul3A_152 = vector.broadcast %mul3A_151 : f32 to vector<256x2048xf32>
    %mul3A_153 = arith.mulf %dot_general3A_150, %mul3A_152 : vector<256x2048xf32>
    %reduce_max3A_154 = arith.constant dense<0xFF800000> : vector<256xf32>
    %reduce_max3A_155 = vector.multi_reduction <maximumf>, %mul3A_153, %reduce_max3A_154 [1] : vector<256x2048xf32> to vector<256xf32>
    %broadcast_in_dim3A_156 = vector.shape_cast %reduce_max3A_155 : vector<256xf32> to vector<256x1xf32>
    %sub3A_157 = vector.broadcast %broadcast_in_dim3A_156 : vector<256x1xf32> to vector<256x2048xf32>
    %sub3A_158 = arith.subf %mul3A_153, %sub3A_157 : vector<256x2048xf32>
    %exp3A_159 = math.exp %sub3A_158 : vector<256x2048xf32>
    %reduce_sum3A_160 = arith.constant dense<0.000000e+00> : vector<256xf32>
    %reduce_sum3A_161 = vector.multi_reduction <add>, %exp3A_159, %reduce_sum3A_160 [1] : vector<256x2048xf32> to vector<256xf32>
    %broadcast_in_dim3A_162 = vector.shape_cast %reduce_sum3A_161 : vector<256xf32> to vector<256x1xf32>
    %mul3A_163 = vector.broadcast %convert_element_type3A_146 : vector<1x128xf32> to vector<2048x128xf32>
    %mul3A_164 = arith.mulf %get3A_13, %mul3A_163 : vector<2048x128xf32>
    %dot_general3A_165 = arith.constant dense<0.000000e+00> : vector<256x128xf32>
    %dot_general3A_166 = tpu.matmul %exp3A_159, %mul3A_164, %dot_general3A_165 {dimension_numbers = #tpu.dot_dimension_numbers<[1], [0], [0], [1], [0, 0, 1, 1], [], []>, transpose_lhs_hint = false} : vector<256x2048xf32>, vector<2048x128xf32>, vector<256x128xf32> -> vector<256x128xf32>
    %div3A_167 = vector.broadcast %broadcast_in_dim3A_162 : vector<256x1xf32> to vector<256x128xf32>
    %div3A_168 = arith.divf %dot_general3A_166, %div3A_167 : vector<256x128xf32>
    %add3A_169 = arith.addf %add3A_141, %div3A_168 : vector<256x128xf32>
    %eq3A_170 = arith.constant 5 : i32
    %eq3A_171 = vector.broadcast %eq3A_170 : i32 to vector<1x128xi32>
    %eq3A_172 = arith.cmpi eq, %select_n3A, %eq3A_171 : vector<1x128xi32>
    %convert_element_type3A_173 = arith.extui %eq3A_172 : vector<1x128xi1> to vector<1x128xi32>
    %convert_element_type3A_174 = arith.sitofp %convert_element_type3A_173 : vector<1x128xi32> to vector<1x128xf32>
    %mul3A_175 = vector.broadcast %convert_element_type3A_174 : vector<1x128xf32> to vector<2048x128xf32>
    %mul3A_176 = arith.mulf %get3A_8, %mul3A_175 : vector<2048x128xf32>
    %dot_general3A_177 = arith.constant dense<0.000000e+00> : vector<256x2048xf32>
    %dot_general3A_178 = tpu.matmul %get3A_3, %mul3A_176, %dot_general3A_177 {dimension_numbers = #tpu.dot_dimension_numbers<[1], [1], [0], [0], [0, 0, 1, 0], [], []>, transpose_lhs_hint = false} : vector<256x128xf32>, vector<2048x128xf32>, vector<256x2048xf32> -> vector<256x2048xf32>
    %mul3A_179 = arith.constant 0.353553385 : f32
    %mul3A_180 = vector.broadcast %mul3A_179 : f32 to vector<256x2048xf32>
    %mul3A_181 = arith.mulf %dot_general3A_178, %mul3A_180 : vector<256x2048xf32>
    %reduce_max3A_182 = arith.constant dense<0xFF800000> : vector<256xf32>
    %reduce_max3A_183 = vector.multi_reduction <maximumf>, %mul3A_181, %reduce_max3A_182 [1] : vector<256x2048xf32> to vector<256xf32>
    %broadcast_in_dim3A_184 = vector.shape_cast %reduce_max3A_183 : vector<256xf32> to vector<256x1xf32>
    %sub3A_185 = vector.broadcast %broadcast_in_dim3A_184 : vector<256x1xf32> to vector<256x2048xf32>
    %sub3A_186 = arith.subf %mul3A_181, %sub3A_185 : vector<256x2048xf32>
    %exp3A_187 = math.exp %sub3A_186 : vector<256x2048xf32>
    %reduce_sum3A_188 = arith.constant dense<0.000000e+00> : vector<256xf32>
    %reduce_sum3A_189 = vector.multi_reduction <add>, %exp3A_187, %reduce_sum3A_188 [1] : vector<256x2048xf32> to vector<256xf32>
    %broadcast_in_dim3A_190 = vector.shape_cast %reduce_sum3A_189 : vector<256xf32> to vector<256x1xf32>
    %mul3A_191 = vector.broadcast %convert_element_type3A_174 : vector<1x128xf32> to vector<2048x128xf32>
    %mul3A_192 = arith.mulf %get3A_13, %mul3A_191 : vector<2048x128xf32>
    %dot_general3A_193 = arith.constant dense<0.000000e+00> : vector<256x128xf32>
    %dot_general3A_194 = tpu.matmul %exp3A_187, %mul3A_192, %dot_general3A_193 {dimension_numbers = #tpu.dot_dimension_numbers<[1], [0], [0], [1], [0, 0, 1, 1], [], []>, transpose_lhs_hint = false} : vector<256x2048xf32>, vector<2048x128xf32>, vector<256x128xf32> -> vector<256x128xf32>
    %div3A_195 = vector.broadcast %broadcast_in_dim3A_190 : vector<256x1xf32> to vector<256x128xf32>
    %div3A_196 = arith.divf %dot_general3A_194, %div3A_195 : vector<256x128xf32>
    %add3A_197 = arith.addf %add3A_169, %div3A_196 : vector<256x128xf32>
    %eq3A_198 = arith.constant 6 : i32
    %eq3A_199 = vector.broadcast %eq3A_198 : i32 to vector<1x128xi32>
    %eq3A_200 = arith.cmpi eq, %select_n3A, %eq3A_199 : vector<1x128xi32>
    %convert_element_type3A_201 = arith.extui %eq3A_200 : vector<1x128xi1> to vector<1x128xi32>
    %convert_element_type3A_202 = arith.sitofp %convert_element_type3A_201 : vector<1x128xi32> to vector<1x128xf32>
    %mul3A_203 = vector.broadcast %convert_element_type3A_202 : vector<1x128xf32> to vector<2048x128xf32>
    %mul3A_204 = arith.mulf %get3A_8, %mul3A_203 : vector<2048x128xf32>
    %dot_general3A_205 = arith.constant dense<0.000000e+00> : vector<256x2048xf32>
    %dot_general3A_206 = tpu.matmul %get3A_3, %mul3A_204, %dot_general3A_205 {dimension_numbers = #tpu.dot_dimension_numbers<[1], [1], [0], [0], [0, 0, 1, 0], [], []>, transpose_lhs_hint = false} : vector<256x128xf32>, vector<2048x128xf32>, vector<256x2048xf32> -> vector<256x2048xf32>
    %mul3A_207 = arith.constant 0.353553385 : f32
    %mul3A_208 = vector.broadcast %mul3A_207 : f32 to vector<256x2048xf32>
    %mul3A_209 = arith.mulf %dot_general3A_206, %mul3A_208 : vector<256x2048xf32>
    %reduce_max3A_210 = arith.constant dense<0xFF800000> : vector<256xf32>
    %reduce_max3A_211 = vector.multi_reduction <maximumf>, %mul3A_209, %reduce_max3A_210 [1] : vector<256x2048xf32> to vector<256xf32>
    %broadcast_in_dim3A_212 = vector.shape_cast %reduce_max3A_211 : vector<256xf32> to vector<256x1xf32>
    %sub3A_213 = vector.broadcast %broadcast_in_dim3A_212 : vector<256x1xf32> to vector<256x2048xf32>
    %sub3A_214 = arith.subf %mul3A_209, %sub3A_213 : vector<256x2048xf32>
    %exp3A_215 = math.exp %sub3A_214 : vector<256x2048xf32>
    %reduce_sum3A_216 = arith.constant dense<0.000000e+00> : vector<256xf32>
    %reduce_sum3A_217 = vector.multi_reduction <add>, %exp3A_215, %reduce_sum3A_216 [1] : vector<256x2048xf32> to vector<256xf32>
    %broadcast_in_dim3A_218 = vector.shape_cast %reduce_sum3A_217 : vector<256xf32> to vector<256x1xf32>
    %mul3A_219 = vector.broadcast %convert_element_type3A_202 : vector<1x128xf32> to vector<2048x128xf32>
    %mul3A_220 = arith.mulf %get3A_13, %mul3A_219 : vector<2048x128xf32>
    %dot_general3A_221 = arith.constant dense<0.000000e+00> : vector<256x128xf32>
    %dot_general3A_222 = tpu.matmul %exp3A_215, %mul3A_220, %dot_general3A_221 {dimension_numbers = #tpu.dot_dimension_numbers<[1], [0], [0], [1], [0, 0, 1, 1], [], []>, transpose_lhs_hint = false} : vector<256x2048xf32>, vector<2048x128xf32>, vector<256x128xf32> -> vector<256x128xf32>
    %div3A_223 = vector.broadcast %broadcast_in_dim3A_218 : vector<256x1xf32> to vector<256x128xf32>
    %div3A_224 = arith.divf %dot_general3A_222, %div3A_223 : vector<256x128xf32>
    %add3A_225 = arith.addf %add3A_197, %div3A_224 : vector<256x128xf32>
    %eq3A_226 = arith.constant 7 : i32
    %eq3A_227 = vector.broadcast %eq3A_226 : i32 to vector<1x128xi32>
    %eq3A_228 = arith.cmpi eq, %select_n3A, %eq3A_227 : vector<1x128xi32>
    %convert_element_type3A_229 = arith.extui %eq3A_228 : vector<1x128xi1> to vector<1x128xi32>
    %convert_element_type3A_230 = arith.sitofp %convert_element_type3A_229 : vector<1x128xi32> to vector<1x128xf32>
    %mul3A_231 = vector.broadcast %convert_element_type3A_230 : vector<1x128xf32> to vector<2048x128xf32>
    %mul3A_232 = arith.mulf %get3A_8, %mul3A_231 : vector<2048x128xf32>
    %dot_general3A_233 = arith.constant dense<0.000000e+00> : vector<256x2048xf32>
    %dot_general3A_234 = tpu.matmul %get3A_3, %mul3A_232, %dot_general3A_233 {dimension_numbers = #tpu.dot_dimension_numbers<[1], [1], [0], [0], [0, 0, 1, 0], [], []>, transpose_lhs_hint = false} : vector<256x128xf32>, vector<2048x128xf32>, vector<256x2048xf32> -> vector<256x2048xf32>
    %mul3A_235 = arith.constant 0.353553385 : f32
    %mul3A_236 = vector.broadcast %mul3A_235 : f32 to vector<256x2048xf32>
    %mul3A_237 = arith.mulf %dot_general3A_234, %mul3A_236 : vector<256x2048xf32>
    %reduce_max3A_238 = arith.constant dense<0xFF800000> : vector<256xf32>
    %reduce_max3A_239 = vector.multi_reduction <maximumf>, %mul3A_237, %reduce_max3A_238 [1] : vector<256x2048xf32> to vector<256xf32>
    %broadcast_in_dim3A_240 = vector.shape_cast %reduce_max3A_239 : vector<256xf32> to vector<256x1xf32>
    %sub3A_241 = vector.broadcast %broadcast_in_dim3A_240 : vector<256x1xf32> to vector<256x2048xf32>
    %sub3A_242 = arith.subf %mul3A_237, %sub3A_241 : vector<256x2048xf32>
    %exp3A_243 = math.exp %sub3A_242 : vector<256x2048xf32>
    %reduce_sum3A_244 = arith.constant dense<0.000000e+00> : vector<256xf32>
    %reduce_sum3A_245 = vector.multi_reduction <add>, %exp3A_243, %reduce_sum3A_244 [1] : vector<256x2048xf32> to vector<256xf32>
    %broadcast_in_dim3A_246 = vector.shape_cast %reduce_sum3A_245 : vector<256xf32> to vector<256x1xf32>
    %mul3A_247 = vector.broadcast %convert_element_type3A_230 : vector<1x128xf32> to vector<2048x128xf32>
    %mul3A_248 = arith.mulf %get3A_13, %mul3A_247 : vector<2048x128xf32>
    %dot_general3A_249 = arith.constant dense<0.000000e+00> : vector<256x128xf32>
    %dot_general3A_250 = tpu.matmul %exp3A_243, %mul3A_248, %dot_general3A_249 {dimension_numbers = #tpu.dot_dimension_numbers<[1], [0], [0], [1], [0, 0, 1, 1], [], []>, transpose_lhs_hint = false} : vector<256x2048xf32>, vector<2048x128xf32>, vector<256x128xf32> -> vector<256x128xf32>
    %div3A_251 = vector.broadcast %broadcast_in_dim3A_246 : vector<256x1xf32> to vector<256x128xf32>
    %div3A_252 = arith.divf %dot_general3A_250, %div3A_251 : vector<256x128xf32>
    %add3A_253 = arith.addf %add3A_225, %div3A_252 : vector<256x128xf32>
    %eq3A_254 = arith.constant 8 : i32
    %eq3A_255 = vector.broadcast %eq3A_254 : i32 to vector<1x128xi32>
    %eq3A_256 = arith.cmpi eq, %select_n3A, %eq3A_255 : vector<1x128xi32>
    %convert_element_type3A_257 = arith.extui %eq3A_256 : vector<1x128xi1> to vector<1x128xi32>
    %convert_element_type3A_258 = arith.sitofp %convert_element_type3A_257 : vector<1x128xi32> to vector<1x128xf32>
    %mul3A_259 = vector.broadcast %convert_element_type3A_258 : vector<1x128xf32> to vector<2048x128xf32>
    %mul3A_260 = arith.mulf %get3A_8, %mul3A_259 : vector<2048x128xf32>
    %dot_general3A_261 = arith.constant dense<0.000000e+00> : vector<256x2048xf32>
    %dot_general3A_262 = tpu.matmul %get3A_3, %mul3A_260, %dot_general3A_261 {dimension_numbers = #tpu.dot_dimension_numbers<[1], [1], [0], [0], [0, 0, 1, 0], [], []>, transpose_lhs_hint = false} : vector<256x128xf32>, vector<2048x128xf32>, vector<256x2048xf32> -> vector<256x2048xf32>
    %mul3A_263 = arith.constant 0.353553385 : f32
    %mul3A_264 = vector.broadcast %mul3A_263 : f32 to vector<256x2048xf32>
    %mul3A_265 = arith.mulf %dot_general3A_262, %mul3A_264 : vector<256x2048xf32>
    %reduce_max3A_266 = arith.constant dense<0xFF800000> : vector<256xf32>
    %reduce_max3A_267 = vector.multi_reduction <maximumf>, %mul3A_265, %reduce_max3A_266 [1] : vector<256x2048xf32> to vector<256xf32>
    %broadcast_in_dim3A_268 = vector.shape_cast %reduce_max3A_267 : vector<256xf32> to vector<256x1xf32>
    %sub3A_269 = vector.broadcast %broadcast_in_dim3A_268 : vector<256x1xf32> to vector<256x2048xf32>
    %sub3A_270 = arith.subf %mul3A_265, %sub3A_269 : vector<256x2048xf32>
    %exp3A_271 = math.exp %sub3A_270 : vector<256x2048xf32>
    %reduce_sum3A_272 = arith.constant dense<0.000000e+00> : vector<256xf32>
    %reduce_sum3A_273 = vector.multi_reduction <add>, %exp3A_271, %reduce_sum3A_272 [1] : vector<256x2048xf32> to vector<256xf32>
    %broadcast_in_dim3A_274 = vector.shape_cast %reduce_sum3A_273 : vector<256xf32> to vector<256x1xf32>
    %mul3A_275 = vector.broadcast %convert_element_type3A_258 : vector<1x128xf32> to vector<2048x128xf32>
    %mul3A_276 = arith.mulf %get3A_13, %mul3A_275 : vector<2048x128xf32>
    %dot_general3A_277 = arith.constant dense<0.000000e+00> : vector<256x128xf32>
    %dot_general3A_278 = tpu.matmul %exp3A_271, %mul3A_276, %dot_general3A_277 {dimension_numbers = #tpu.dot_dimension_numbers<[1], [0], [0], [1], [0, 0, 1, 1], [], []>, transpose_lhs_hint = false} : vector<256x2048xf32>, vector<2048x128xf32>, vector<256x128xf32> -> vector<256x128xf32>
    %div3A_279 = vector.broadcast %broadcast_in_dim3A_274 : vector<256x1xf32> to vector<256x128xf32>
    %div3A_280 = arith.divf %dot_general3A_278, %div3A_279 : vector<256x128xf32>
    %add3A_281 = arith.addf %add3A_253, %div3A_280 : vector<256x128xf32>
    %eq3A_282 = arith.constant 9 : i32
    %eq3A_283 = vector.broadcast %eq3A_282 : i32 to vector<1x128xi32>
    %eq3A_284 = arith.cmpi eq, %select_n3A, %eq3A_283 : vector<1x128xi32>
    %convert_element_type3A_285 = arith.extui %eq3A_284 : vector<1x128xi1> to vector<1x128xi32>
    %convert_element_type3A_286 = arith.sitofp %convert_element_type3A_285 : vector<1x128xi32> to vector<1x128xf32>
    %mul3A_287 = vector.broadcast %convert_element_type3A_286 : vector<1x128xf32> to vector<2048x128xf32>
    %mul3A_288 = arith.mulf %get3A_8, %mul3A_287 : vector<2048x128xf32>
    %dot_general3A_289 = arith.constant dense<0.000000e+00> : vector<256x2048xf32>
    %dot_general3A_290 = tpu.matmul %get3A_3, %mul3A_288, %dot_general3A_289 {dimension_numbers = #tpu.dot_dimension_numbers<[1], [1], [0], [0], [0, 0, 1, 0], [], []>, transpose_lhs_hint = false} : vector<256x128xf32>, vector<2048x128xf32>, vector<256x2048xf32> -> vector<256x2048xf32>
    %mul3A_291 = arith.constant 0.353553385 : f32
    %mul3A_292 = vector.broadcast %mul3A_291 : f32 to vector<256x2048xf32>
    %mul3A_293 = arith.mulf %dot_general3A_290, %mul3A_292 : vector<256x2048xf32>
    %reduce_max3A_294 = arith.constant dense<0xFF800000> : vector<256xf32>
    %reduce_max3A_295 = vector.multi_reduction <maximumf>, %mul3A_293, %reduce_max3A_294 [1] : vector<256x2048xf32> to vector<256xf32>
    %broadcast_in_dim3A_296 = vector.shape_cast %reduce_max3A_295 : vector<256xf32> to vector<256x1xf32>
    %sub3A_297 = vector.broadcast %broadcast_in_dim3A_296 : vector<256x1xf32> to vector<256x2048xf32>
    %sub3A_298 = arith.subf %mul3A_293, %sub3A_297 : vector<256x2048xf32>
    %exp3A_299 = math.exp %sub3A_298 : vector<256x2048xf32>
    %reduce_sum3A_300 = arith.constant dense<0.000000e+00> : vector<256xf32>
    %reduce_sum3A_301 = vector.multi_reduction <add>, %exp3A_299, %reduce_sum3A_300 [1] : vector<256x2048xf32> to vector<256xf32>
    %broadcast_in_dim3A_302 = vector.shape_cast %reduce_sum3A_301 : vector<256xf32> to vector<256x1xf32>
    %mul3A_303 = vector.broadcast %convert_element_type3A_286 : vector<1x128xf32> to vector<2048x128xf32>
    %mul3A_304 = arith.mulf %get3A_13, %mul3A_303 : vector<2048x128xf32>
    %dot_general3A_305 = arith.constant dense<0.000000e+00> : vector<256x128xf32>
    %dot_general3A_306 = tpu.matmul %exp3A_299, %mul3A_304, %dot_general3A_305 {dimension_numbers = #tpu.dot_dimension_numbers<[1], [0], [0], [1], [0, 0, 1, 1], [], []>, transpose_lhs_hint = false} : vector<256x2048xf32>, vector<2048x128xf32>, vector<256x128xf32> -> vector<256x128xf32>
    %div3A_307 = vector.broadcast %broadcast_in_dim3A_302 : vector<256x1xf32> to vector<256x128xf32>
    %div3A_308 = arith.divf %dot_general3A_306, %div3A_307 : vector<256x128xf32>
    %add3A_309 = arith.addf %add3A_281, %div3A_308 : vector<256x128xf32>
    %eq3A_310 = arith.constant 10 : i32
    %eq3A_311 = vector.broadcast %eq3A_310 : i32 to vector<1x128xi32>
    %eq3A_312 = arith.cmpi eq, %select_n3A, %eq3A_311 : vector<1x128xi32>
    %convert_element_type3A_313 = arith.extui %eq3A_312 : vector<1x128xi1> to vector<1x128xi32>
    %convert_element_type3A_314 = arith.sitofp %convert_element_type3A_313 : vector<1x128xi32> to vector<1x128xf32>
    %mul3A_315 = vector.broadcast %convert_element_type3A_314 : vector<1x128xf32> to vector<2048x128xf32>
    %mul3A_316 = arith.mulf %get3A_8, %mul3A_315 : vector<2048x128xf32>
    %dot_general3A_317 = arith.constant dense<0.000000e+00> : vector<256x2048xf32>
    %dot_general3A_318 = tpu.matmul %get3A_3, %mul3A_316, %dot_general3A_317 {dimension_numbers = #tpu.dot_dimension_numbers<[1], [1], [0], [0], [0, 0, 1, 0], [], []>, transpose_lhs_hint = false} : vector<256x128xf32>, vector<2048x128xf32>, vector<256x2048xf32> -> vector<256x2048xf32>
    %mul3A_319 = arith.constant 0.353553385 : f32
    %mul3A_320 = vector.broadcast %mul3A_319 : f32 to vector<256x2048xf32>
    %mul3A_321 = arith.mulf %dot_general3A_318, %mul3A_320 : vector<256x2048xf32>
    %reduce_max3A_322 = arith.constant dense<0xFF800000> : vector<256xf32>
    %reduce_max3A_323 = vector.multi_reduction <maximumf>, %mul3A_321, %reduce_max3A_322 [1] : vector<256x2048xf32> to vector<256xf32>
    %broadcast_in_dim3A_324 = vector.shape_cast %reduce_max3A_323 : vector<256xf32> to vector<256x1xf32>
    %sub3A_325 = vector.broadcast %broadcast_in_dim3A_324 : vector<256x1xf32> to vector<256x2048xf32>
    %sub3A_326 = arith.subf %mul3A_321, %sub3A_325 : vector<256x2048xf32>
    %exp3A_327 = math.exp %sub3A_326 : vector<256x2048xf32>
    %reduce_sum3A_328 = arith.constant dense<0.000000e+00> : vector<256xf32>
    %reduce_sum3A_329 = vector.multi_reduction <add>, %exp3A_327, %reduce_sum3A_328 [1] : vector<256x2048xf32> to vector<256xf32>
    %broadcast_in_dim3A_330 = vector.shape_cast %reduce_sum3A_329 : vector<256xf32> to vector<256x1xf32>
    %mul3A_331 = vector.broadcast %convert_element_type3A_314 : vector<1x128xf32> to vector<2048x128xf32>
    %mul3A_332 = arith.mulf %get3A_13, %mul3A_331 : vector<2048x128xf32>
    %dot_general3A_333 = arith.constant dense<0.000000e+00> : vector<256x128xf32>
    %dot_general3A_334 = tpu.matmul %exp3A_327, %mul3A_332, %dot_general3A_333 {dimension_numbers = #tpu.dot_dimension_numbers<[1], [0], [0], [1], [0, 0, 1, 1], [], []>, transpose_lhs_hint = false} : vector<256x2048xf32>, vector<2048x128xf32>, vector<256x128xf32> -> vector<256x128xf32>
    %div3A_335 = vector.broadcast %broadcast_in_dim3A_330 : vector<256x1xf32> to vector<256x128xf32>
    %div3A_336 = arith.divf %dot_general3A_334, %div3A_335 : vector<256x128xf32>
    %add3A_337 = arith.addf %add3A_309, %div3A_336 : vector<256x128xf32>
    %eq3A_338 = arith.constant 11 : i32
    %eq3A_339 = vector.broadcast %eq3A_338 : i32 to vector<1x128xi32>
    %eq3A_340 = arith.cmpi eq, %select_n3A, %eq3A_339 : vector<1x128xi32>
    %convert_element_type3A_341 = arith.extui %eq3A_340 : vector<1x128xi1> to vector<1x128xi32>
    %convert_element_type3A_342 = arith.sitofp %convert_element_type3A_341 : vector<1x128xi32> to vector<1x128xf32>
    %mul3A_343 = vector.broadcast %convert_element_type3A_342 : vector<1x128xf32> to vector<2048x128xf32>
    %mul3A_344 = arith.mulf %get3A_8, %mul3A_343 : vector<2048x128xf32>
    %dot_general3A_345 = arith.constant dense<0.000000e+00> : vector<256x2048xf32>
    %dot_general3A_346 = tpu.matmul %get3A_3, %mul3A_344, %dot_general3A_345 {dimension_numbers = #tpu.dot_dimension_numbers<[1], [1], [0], [0], [0, 0, 1, 0], [], []>, transpose_lhs_hint = false} : vector<256x128xf32>, vector<2048x128xf32>, vector<256x2048xf32> -> vector<256x2048xf32>
    %mul3A_347 = arith.constant 0.353553385 : f32
    %mul3A_348 = vector.broadcast %mul3A_347 : f32 to vector<256x2048xf32>
    %mul3A_349 = arith.mulf %dot_general3A_346, %mul3A_348 : vector<256x2048xf32>
    %reduce_max3A_350 = arith.constant dense<0xFF800000> : vector<256xf32>
    %reduce_max3A_351 = vector.multi_reduction <maximumf>, %mul3A_349, %reduce_max3A_350 [1] : vector<256x2048xf32> to vector<256xf32>
    %broadcast_in_dim3A_352 = vector.shape_cast %reduce_max3A_351 : vector<256xf32> to vector<256x1xf32>
    %sub3A_353 = vector.broadcast %broadcast_in_dim3A_352 : vector<256x1xf32> to vector<256x2048xf32>
    %sub3A_354 = arith.subf %mul3A_349, %sub3A_353 : vector<256x2048xf32>
    %exp3A_355 = math.exp %sub3A_354 : vector<256x2048xf32>
    %reduce_sum3A_356 = arith.constant dense<0.000000e+00> : vector<256xf32>
    %reduce_sum3A_357 = vector.multi_reduction <add>, %exp3A_355, %reduce_sum3A_356 [1] : vector<256x2048xf32> to vector<256xf32>
    %broadcast_in_dim3A_358 = vector.shape_cast %reduce_sum3A_357 : vector<256xf32> to vector<256x1xf32>
    %mul3A_359 = vector.broadcast %convert_element_type3A_342 : vector<1x128xf32> to vector<2048x128xf32>
    %mul3A_360 = arith.mulf %get3A_13, %mul3A_359 : vector<2048x128xf32>
    %dot_general3A_361 = arith.constant dense<0.000000e+00> : vector<256x128xf32>
    %dot_general3A_362 = tpu.matmul %exp3A_355, %mul3A_360, %dot_general3A_361 {dimension_numbers = #tpu.dot_dimension_numbers<[1], [0], [0], [1], [0, 0, 1, 1], [], []>, transpose_lhs_hint = false} : vector<256x2048xf32>, vector<2048x128xf32>, vector<256x128xf32> -> vector<256x128xf32>
    %div3A_363 = vector.broadcast %broadcast_in_dim3A_358 : vector<256x1xf32> to vector<256x128xf32>
    %div3A_364 = arith.divf %dot_general3A_362, %div3A_363 : vector<256x128xf32>
    %add3A_365 = arith.addf %add3A_337, %div3A_364 : vector<256x128xf32>
    %eq3A_366 = arith.constant 12 : i32
    %eq3A_367 = vector.broadcast %eq3A_366 : i32 to vector<1x128xi32>
    %eq3A_368 = arith.cmpi eq, %select_n3A, %eq3A_367 : vector<1x128xi32>
    %convert_element_type3A_369 = arith.extui %eq3A_368 : vector<1x128xi1> to vector<1x128xi32>
    %convert_element_type3A_370 = arith.sitofp %convert_element_type3A_369 : vector<1x128xi32> to vector<1x128xf32>
    %mul3A_371 = vector.broadcast %convert_element_type3A_370 : vector<1x128xf32> to vector<2048x128xf32>
    %mul3A_372 = arith.mulf %get3A_8, %mul3A_371 : vector<2048x128xf32>
    %dot_general3A_373 = arith.constant dense<0.000000e+00> : vector<256x2048xf32>
    %dot_general3A_374 = tpu.matmul %get3A_3, %mul3A_372, %dot_general3A_373 {dimension_numbers = #tpu.dot_dimension_numbers<[1], [1], [0], [0], [0, 0, 1, 0], [], []>, transpose_lhs_hint = false} : vector<256x128xf32>, vector<2048x128xf32>, vector<256x2048xf32> -> vector<256x2048xf32>
    %mul3A_375 = arith.constant 0.353553385 : f32
    %mul3A_376 = vector.broadcast %mul3A_375 : f32 to vector<256x2048xf32>
    %mul3A_377 = arith.mulf %dot_general3A_374, %mul3A_376 : vector<256x2048xf32>
    %reduce_max3A_378 = arith.constant dense<0xFF800000> : vector<256xf32>
    %reduce_max3A_379 = vector.multi_reduction <maximumf>, %mul3A_377, %reduce_max3A_378 [1] : vector<256x2048xf32> to vector<256xf32>
    %broadcast_in_dim3A_380 = vector.shape_cast %reduce_max3A_379 : vector<256xf32> to vector<256x1xf32>
    %sub3A_381 = vector.broadcast %broadcast_in_dim3A_380 : vector<256x1xf32> to vector<256x2048xf32>
    %sub3A_382 = arith.subf %mul3A_377, %sub3A_381 : vector<256x2048xf32>
    %exp3A_383 = math.exp %sub3A_382 : vector<256x2048xf32>
    %reduce_sum3A_384 = arith.constant dense<0.000000e+00> : vector<256xf32>
    %reduce_sum3A_385 = vector.multi_reduction <add>, %exp3A_383, %reduce_sum3A_384 [1] : vector<256x2048xf32> to vector<256xf32>
    %broadcast_in_dim3A_386 = vector.shape_cast %reduce_sum3A_385 : vector<256xf32> to vector<256x1xf32>
    %mul3A_387 = vector.broadcast %convert_element_type3A_370 : vector<1x128xf32> to vector<2048x128xf32>
    %mul3A_388 = arith.mulf %get3A_13, %mul3A_387 : vector<2048x128xf32>
    %dot_general3A_389 = arith.constant dense<0.000000e+00> : vector<256x128xf32>
    %dot_general3A_390 = tpu.matmul %exp3A_383, %mul3A_388, %dot_general3A_389 {dimension_numbers = #tpu.dot_dimension_numbers<[1], [0], [0], [1], [0, 0, 1, 1], [], []>, transpose_lhs_hint = false} : vector<256x2048xf32>, vector<2048x128xf32>, vector<256x128xf32> -> vector<256x128xf32>
    %div3A_391 = vector.broadcast %broadcast_in_dim3A_386 : vector<256x1xf32> to vector<256x128xf32>
    %div3A_392 = arith.divf %dot_general3A_390, %div3A_391 : vector<256x128xf32>
    %add3A_393 = arith.addf %add3A_365, %div3A_392 : vector<256x128xf32>
    %eq3A_394 = arith.constant 13 : i32
    %eq3A_395 = vector.broadcast %eq3A_394 : i32 to vector<1x128xi32>
    %eq3A_396 = arith.cmpi eq, %select_n3A, %eq3A_395 : vector<1x128xi32>
    %convert_element_type3A_397 = arith.extui %eq3A_396 : vector<1x128xi1> to vector<1x128xi32>
    %convert_element_type3A_398 = arith.sitofp %convert_element_type3A_397 : vector<1x128xi32> to vector<1x128xf32>
    %mul3A_399 = vector.broadcast %convert_element_type3A_398 : vector<1x128xf32> to vector<2048x128xf32>
    %mul3A_400 = arith.mulf %get3A_8, %mul3A_399 : vector<2048x128xf32>
    %dot_general3A_401 = arith.constant dense<0.000000e+00> : vector<256x2048xf32>
    %dot_general3A_402 = tpu.matmul %get3A_3, %mul3A_400, %dot_general3A_401 {dimension_numbers = #tpu.dot_dimension_numbers<[1], [1], [0], [0], [0, 0, 1, 0], [], []>, transpose_lhs_hint = false} : vector<256x128xf32>, vector<2048x128xf32>, vector<256x2048xf32> -> vector<256x2048xf32>
    %mul3A_403 = arith.constant 0.353553385 : f32
    %mul3A_404 = vector.broadcast %mul3A_403 : f32 to vector<256x2048xf32>
    %mul3A_405 = arith.mulf %dot_general3A_402, %mul3A_404 : vector<256x2048xf32>
    %reduce_max3A_406 = arith.constant dense<0xFF800000> : vector<256xf32>
    %reduce_max3A_407 = vector.multi_reduction <maximumf>, %mul3A_405, %reduce_max3A_406 [1] : vector<256x2048xf32> to vector<256xf32>
    %broadcast_in_dim3A_408 = vector.shape_cast %reduce_max3A_407 : vector<256xf32> to vector<256x1xf32>
    %sub3A_409 = vector.broadcast %broadcast_in_dim3A_408 : vector<256x1xf32> to vector<256x2048xf32>
    %sub3A_410 = arith.subf %mul3A_405, %sub3A_409 : vector<256x2048xf32>
    %exp3A_411 = math.exp %sub3A_410 : vector<256x2048xf32>
    %reduce_sum3A_412 = arith.constant dense<0.000000e+00> : vector<256xf32>
    %reduce_sum3A_413 = vector.multi_reduction <add>, %exp3A_411, %reduce_sum3A_412 [1] : vector<256x2048xf32> to vector<256xf32>
    %broadcast_in_dim3A_414 = vector.shape_cast %reduce_sum3A_413 : vector<256xf32> to vector<256x1xf32>
    %mul3A_415 = vector.broadcast %convert_element_type3A_398 : vector<1x128xf32> to vector<2048x128xf32>
    %mul3A_416 = arith.mulf %get3A_13, %mul3A_415 : vector<2048x128xf32>
    %dot_general3A_417 = arith.constant dense<0.000000e+00> : vector<256x128xf32>
    %dot_general3A_418 = tpu.matmul %exp3A_411, %mul3A_416, %dot_general3A_417 {dimension_numbers = #tpu.dot_dimension_numbers<[1], [0], [0], [1], [0, 0, 1, 1], [], []>, transpose_lhs_hint = false} : vector<256x2048xf32>, vector<2048x128xf32>, vector<256x128xf32> -> vector<256x128xf32>
    %div3A_419 = vector.broadcast %broadcast_in_dim3A_414 : vector<256x1xf32> to vector<256x128xf32>
    %div3A_420 = arith.divf %dot_general3A_418, %div3A_419 : vector<256x128xf32>
    %add3A_421 = arith.addf %add3A_393, %div3A_420 : vector<256x128xf32>
    %eq3A_422 = arith.constant 14 : i32
    %eq3A_423 = vector.broadcast %eq3A_422 : i32 to vector<1x128xi32>
    %eq3A_424 = arith.cmpi eq, %select_n3A, %eq3A_423 : vector<1x128xi32>
    %convert_element_type3A_425 = arith.extui %eq3A_424 : vector<1x128xi1> to vector<1x128xi32>
    %convert_element_type3A_426 = arith.sitofp %convert_element_type3A_425 : vector<1x128xi32> to vector<1x128xf32>
    %mul3A_427 = vector.broadcast %convert_element_type3A_426 : vector<1x128xf32> to vector<2048x128xf32>
    %mul3A_428 = arith.mulf %get3A_8, %mul3A_427 : vector<2048x128xf32>
    %dot_general3A_429 = arith.constant dense<0.000000e+00> : vector<256x2048xf32>
    %dot_general3A_430 = tpu.matmul %get3A_3, %mul3A_428, %dot_general3A_429 {dimension_numbers = #tpu.dot_dimension_numbers<[1], [1], [0], [0], [0, 0, 1, 0], [], []>, transpose_lhs_hint = false} : vector<256x128xf32>, vector<2048x128xf32>, vector<256x2048xf32> -> vector<256x2048xf32>
    %mul3A_431 = arith.constant 0.353553385 : f32
    %mul3A_432 = vector.broadcast %mul3A_431 : f32 to vector<256x2048xf32>
    %mul3A_433 = arith.mulf %dot_general3A_430, %mul3A_432 : vector<256x2048xf32>
    %reduce_max3A_434 = arith.constant dense<0xFF800000> : vector<256xf32>
    %reduce_max3A_435 = vector.multi_reduction <maximumf>, %mul3A_433, %reduce_max3A_434 [1] : vector<256x2048xf32> to vector<256xf32>
    %broadcast_in_dim3A_436 = vector.shape_cast %reduce_max3A_435 : vector<256xf32> to vector<256x1xf32>
    %sub3A_437 = vector.broadcast %broadcast_in_dim3A_436 : vector<256x1xf32> to vector<256x2048xf32>
    %sub3A_438 = arith.subf %mul3A_433, %sub3A_437 : vector<256x2048xf32>
    %exp3A_439 = math.exp %sub3A_438 : vector<256x2048xf32>
    %reduce_sum3A_440 = arith.constant dense<0.000000e+00> : vector<256xf32>
    %reduce_sum3A_441 = vector.multi_reduction <add>, %exp3A_439, %reduce_sum3A_440 [1] : vector<256x2048xf32> to vector<256xf32>
    %broadcast_in_dim3A_442 = vector.shape_cast %reduce_sum3A_441 : vector<256xf32> to vector<256x1xf32>
    %mul3A_443 = vector.broadcast %convert_element_type3A_426 : vector<1x128xf32> to vector<2048x128xf32>
    %mul3A_444 = arith.mulf %get3A_13, %mul3A_443 : vector<2048x128xf32>
    %dot_general3A_445 = arith.constant dense<0.000000e+00> : vector<256x128xf32>
    %dot_general3A_446 = tpu.matmul %exp3A_439, %mul3A_444, %dot_general3A_445 {dimension_numbers = #tpu.dot_dimension_numbers<[1], [0], [0], [1], [0, 0, 1, 1], [], []>, transpose_lhs_hint = false} : vector<256x2048xf32>, vector<2048x128xf32>, vector<256x128xf32> -> vector<256x128xf32>
    %div3A_447 = vector.broadcast %broadcast_in_dim3A_442 : vector<256x1xf32> to vector<256x128xf32>
    %div3A_448 = arith.divf %dot_general3A_446, %div3A_447 : vector<256x128xf32>
    %add3A_449 = arith.addf %add3A_421, %div3A_448 : vector<256x128xf32>
    %eq3A_450 = arith.constant 15 : i32
    %eq3A_451 = vector.broadcast %eq3A_450 : i32 to vector<1x128xi32>
    %eq3A_452 = arith.cmpi eq, %select_n3A, %eq3A_451 : vector<1x128xi32>
    %convert_element_type3A_453 = arith.extui %eq3A_452 : vector<1x128xi1> to vector<1x128xi32>
    %convert_element_type3A_454 = arith.sitofp %convert_element_type3A_453 : vector<1x128xi32> to vector<1x128xf32>
    %mul3A_455 = vector.broadcast %convert_element_type3A_454 : vector<1x128xf32> to vector<2048x128xf32>
    %mul3A_456 = arith.mulf %get3A_8, %mul3A_455 : vector<2048x128xf32>
    %dot_general3A_457 = arith.constant dense<0.000000e+00> : vector<256x2048xf32>
    %dot_general3A_458 = tpu.matmul %get3A_3, %mul3A_456, %dot_general3A_457 {dimension_numbers = #tpu.dot_dimension_numbers<[1], [1], [0], [0], [0, 0, 1, 0], [], []>, transpose_lhs_hint = false} : vector<256x128xf32>, vector<2048x128xf32>, vector<256x2048xf32> -> vector<256x2048xf32>
    %mul3A_459 = arith.constant 0.353553385 : f32
    %mul3A_460 = vector.broadcast %mul3A_459 : f32 to vector<256x2048xf32>
    %mul3A_461 = arith.mulf %dot_general3A_458, %mul3A_460 : vector<256x2048xf32>
    %reduce_max3A_462 = arith.constant dense<0xFF800000> : vector<256xf32>
    %reduce_max3A_463 = vector.multi_reduction <maximumf>, %mul3A_461, %reduce_max3A_462 [1] : vector<256x2048xf32> to vector<256xf32>
    %broadcast_in_dim3A_464 = vector.shape_cast %reduce_max3A_463 : vector<256xf32> to vector<256x1xf32>
    %sub3A_465 = vector.broadcast %broadcast_in_dim3A_464 : vector<256x1xf32> to vector<256x2048xf32>
    %sub3A_466 = arith.subf %mul3A_461, %sub3A_465 : vector<256x2048xf32>
    %exp3A_467 = math.exp %sub3A_466 : vector<256x2048xf32>
    %reduce_sum3A_468 = arith.constant dense<0.000000e+00> : vector<256xf32>
    %reduce_sum3A_469 = vector.multi_reduction <add>, %exp3A_467, %reduce_sum3A_468 [1] : vector<256x2048xf32> to vector<256xf32>
    %broadcast_in_dim3A_470 = vector.shape_cast %reduce_sum3A_469 : vector<256xf32> to vector<256x1xf32>
    %mul3A_471 = vector.broadcast %convert_element_type3A_454 : vector<1x128xf32> to vector<2048x128xf32>
    %mul3A_472 = arith.mulf %get3A_13, %mul3A_471 : vector<2048x128xf32>
    %dot_general3A_473 = arith.constant dense<0.000000e+00> : vector<256x128xf32>
    %dot_general3A_474 = tpu.matmul %exp3A_467, %mul3A_472, %dot_general3A_473 {dimension_numbers = #tpu.dot_dimension_numbers<[1], [0], [0], [1], [0, 0, 1, 1], [], []>, transpose_lhs_hint = false} : vector<256x2048xf32>, vector<2048x128xf32>, vector<256x128xf32> -> vector<256x128xf32>
    %div3A_475 = vector.broadcast %broadcast_in_dim3A_470 : vector<256x1xf32> to vector<256x128xf32>
    %div3A_476 = arith.divf %dot_general3A_474, %div3A_475 : vector<256x128xf32>
    %add3A_477 = arith.addf %add3A_449, %div3A_476 : vector<256x128xf32>
    %get3A_478 = arith.constant 0 : index
    %get3A_479 = arith.constant 0 : index
    %get3A_480 = arith.constant 0 : index
    %get3A_481 = vector.load %arg5[%get3A_478, %get3A_479, %get3A_480] : memref<1x256x128xf32, #tpu.memory_space<vmem>>, vector<1x256x128xf32>
    %get3A_482 = vector.shape_cast %get3A_481 : vector<1x256x128xf32> to vector<256x128xf32>
    %add3A_483 = arith.addf %get3A_482, %add3A_477 : vector<256x128xf32>
    %reduce_sum3A_484 = arith.constant dense<0.000000e+00> : vector<256xf32>
    %reduce_sum3A_485 = vector.multi_reduction <add>, %add3A_483, %reduce_sum3A_484 [1] : vector<256x128xf32> to vector<256xf32>
    %broadcast_in_dim3A_486 = vector.shape_cast %reduce_sum3A_485 : vector<256xf32> to vector<256x1xf32>
    %div3A_487 = arith.constant 1.280000e+02 : f32
    %div3A_488 = vector.broadcast %div3A_487 : f32 to vector<256x1xf32>
    %div3A_489 = arith.divf %broadcast_in_dim3A_486, %div3A_488 : vector<256x1xf32>
    %sub3A_490 = vector.broadcast %div3A_489 : vector<256x1xf32> to vector<256x128xf32>
    %sub3A_491 = arith.subf %add3A_483, %sub3A_490 : vector<256x128xf32>
    %mul3A_492 = arith.mulf %sub3A_491, %sub3A_491 : vector<256x128xf32>
    %reduce_sum3A_493 = arith.constant dense<0.000000e+00> : vector<256xf32>
    %reduce_sum3A_494 = vector.multi_reduction <add>, %mul3A_492, %reduce_sum3A_493 [1] : vector<256x128xf32> to vector<256xf32>
    %broadcast_in_dim3A_495 = vector.shape_cast %reduce_sum3A_494 : vector<256xf32> to vector<256x1xf32>
    %div3A_496 = arith.constant 1.280000e+02 : f32
    %div3A_497 = vector.broadcast %div3A_496 : f32 to vector<256x1xf32>
    %div3A_498 = arith.divf %broadcast_in_dim3A_495, %div3A_497 : vector<256x1xf32>
    %add3A_499 = arith.constant 9.99999974E-6 : f32
    %add3A_500 = vector.broadcast %add3A_499 : f32 to vector<256x1xf32>
    %add3A_501 = arith.addf %div3A_498, %add3A_500 : vector<256x1xf32>
    %rsqrt3A = math.rsqrt %add3A_501 : vector<256x1xf32>
    %mul3A_502 = vector.broadcast %rsqrt3A : vector<256x1xf32> to vector<256x128xf32>
    %mul3A_503 = arith.mulf %sub3A_491, %mul3A_502 : vector<256x128xf32>
    %get3A_504 = arith.constant 0 : index
    %get3A_505 = arith.constant 0 : index
    %get3A_506 = vector.load %arg6[%get3A_504, %get3A_505] : memref<1x128xf32, #tpu.memory_space<vmem>>, vector<1x128xf32>
    %mul3A_507 = vector.broadcast %get3A_506 : vector<1x128xf32> to vector<256x128xf32>
    %mul3A_508 = arith.mulf %mul3A_503, %mul3A_507 : vector<256x128xf32>
    %get3A_509 = arith.constant 0 : index
    %get3A_510 = arith.constant 0 : index
    %get3A_511 = vector.load %arg7[%get3A_509, %get3A_510] : memref<1x128xf32, #tpu.memory_space<vmem>>, vector<1x128xf32>
    %add3A_512 = vector.broadcast %get3A_511 : vector<1x128xf32> to vector<256x128xf32>
    %add3A_513 = arith.addf %mul3A_508, %add3A_512 : vector<256x128xf32>
    %get3A_514 = arith.constant 0 : index
    %get3A_515 = arith.constant 0 : index
    %get3A_516 = vector.load %arg8[%get3A_514, %get3A_515] : memref<128x512xf32, #tpu.memory_space<vmem>>, vector<128x512xf32>
    %dot_general3A_517 = arith.constant dense<0.000000e+00> : vector<256x512xf32>
    %dot_general3A_518 = tpu.matmul %add3A_513, %get3A_516, %dot_general3A_517 {dimension_numbers = #tpu.dot_dimension_numbers<[1], [0], [0], [1], [0, 0, 1, 1], [], []>, transpose_lhs_hint = false} : vector<256x128xf32>, vector<128x512xf32>, vector<256x512xf32> -> vector<256x512xf32>
    %get3A_519 = arith.constant 0 : index
    %get3A_520 = arith.constant 0 : index
    %get3A_521 = vector.load %arg9[%get3A_519, %get3A_520] : memref<1x512xf32, #tpu.memory_space<vmem>>, vector<1x512xf32>
    %add3A_522 = vector.broadcast %get3A_521 : vector<1x512xf32> to vector<256x512xf32>
    %add3A_523 = arith.addf %dot_general3A_518, %add3A_522 : vector<256x512xf32>
    %max3A = arith.constant 0.000000e+00 : f32
    %max3A_524 = vector.broadcast %max3A : f32 to vector<256x512xf32>
    %max3A_525 = arith.maximumf %add3A_523, %max3A_524 : vector<256x512xf32>
    %get3A_526 = arith.constant 0 : index
    %get3A_527 = arith.constant 0 : index
    %get3A_528 = vector.load %arg10[%get3A_526, %get3A_527] : memref<512x128xf32, #tpu.memory_space<vmem>>, vector<512x128xf32>
    %dot_general3A_529 = arith.constant dense<0.000000e+00> : vector<256x128xf32>
    %dot_general3A_530 = tpu.matmul %max3A_525, %get3A_528, %dot_general3A_529 {dimension_numbers = #tpu.dot_dimension_numbers<[1], [0], [0], [1], [0, 0, 1, 1], [], []>, transpose_lhs_hint = false} : vector<256x512xf32>, vector<512x128xf32>, vector<256x128xf32> -> vector<256x128xf32>
    %get3A_531 = arith.constant 0 : index
    %get3A_532 = arith.constant 0 : index
    %get3A_533 = vector.load %arg11[%get3A_531, %get3A_532] : memref<1x128xf32, #tpu.memory_space<vmem>>, vector<1x128xf32>
    %add3A_534 = vector.broadcast %get3A_533 : vector<1x128xf32> to vector<256x128xf32>
    %add3A_535 = arith.addf %dot_general3A_530, %add3A_534 : vector<256x128xf32>
    %add3A_536 = arith.addf %add3A_535, %add3A_513 : vector<256x128xf32>
    %swap3A = arith.constant 0 : index
    %swap3A_537 = arith.constant 0 : index
    %swap3A_538 = arith.constant 0 : index
    %swap3A_539 = vector.load %arg12[%swap3A, %swap3A_537, %swap3A_538] : memref<1x256x128xf32, #tpu.memory_space<vmem>>, vector<1x256x128xf32>
    %swap3A_540 = vector.shape_cast %swap3A_539 : vector<1x256x128xf32> to vector<256x128xf32>
    %swap3A_541 = vector.shape_cast %add3A_536 : vector<256x128xf32> to vector<1x256x128xf32>
    tpu.vector_store %arg12[%swap3A, %swap3A_537, %swap3A_538], %swap3A_541 {strides = array<i32>} : memref<1x256x128xf32, #tpu.memory_space<vmem>>, vector<1x256x128xf32>,
    return
  }
  func.func @transform_0(%arg0: i32, %arg1: i32) -> (i32, i32, i32) {
    %c0_i32 = arith.constant 0 : i32
    %c0_i32_0 = arith.constant 0 : i32
    return %arg0, %arg1, %c0_i32 : i32, i32, i32
  }
  func.func @transform_1(%arg0: i32, %arg1: i32) -> (i32, i32, i32) {
    %c0_i32 = arith.constant 0 : i32
    %c0_i32_0 = arith.constant 0 : i32
    %c0_i32_1 = arith.constant 0 : i32
    return %arg0, %c0_i32, %c0_i32_0 : i32, i32, i32
  }
  func.func @transform_2(%arg0: i32, %arg1: i32) -> (i32, i32, i32) {
    %c0_i32 = arith.constant 0 : i32
    %c0_i32_0 = arith.constant 0 : i32
    %c0_i32_1 = arith.constant 0 : i32
    return %arg0, %c0_i32, %c0_i32_0 : i32, i32, i32
  }
  func.func @transform_3(%arg0: i32, %arg1: i32) -> (i32, i32, i32) {
    %c0_i32 = arith.constant 0 : i32
    %c0_i32_0 = arith.constant 0 : i32
    return %arg0, %arg1, %c0_i32 : i32, i32, i32
  }
  func.func @transform_4(%arg0: i32, %arg1: i32) -> (i32, i32) {
    %c0_i32 = arith.constant 0 : i32
    %c0_i32_0 = arith.constant 0 : i32
    %c0_i32_1 = arith.constant 0 : i32
    return %c0_i32, %c0_i32_0 : i32, i32
  }
  func.func @transform_5(%arg0: i32, %arg1: i32) -> (i32, i32) {
    %c0_i32 = arith.constant 0 : i32
    %c0_i32_0 = arith.constant 0 : i32
    %c0_i32_1 = arith.constant 0 : i32
    return %c0_i32, %c0_i32_0 : i32, i32
  }
  func.func @transform_6(%arg0: i32, %arg1: i32) -> (i32, i32) {
    %c0_i32 = arith.constant 0 : i32
    %c0_i32_0 = arith.constant 0 : i32
    %c0_i32_1 = arith.constant 0 : i32
    return %c0_i32, %c0_i32_0 : i32, i32
  }
  func.func @transform_7(%arg0: i32, %arg1: i32) -> (i32, i32) {
    %c0_i32 = arith.constant 0 : i32
    %c0_i32_0 = arith.constant 0 : i32
    %c0_i32_1 = arith.constant 0 : i32
    return %c0_i32, %c0_i32_0 : i32, i32
  }
  func.func @transform_8(%arg0: i32, %arg1: i32) -> (i32, i32) {
    %c0_i32 = arith.constant 0 : i32
    %c0_i32_0 = arith.constant 0 : i32
    %c0_i32_1 = arith.constant 0 : i32
    return %c0_i32, %c0_i32_0 : i32, i32
  }
  func.func @transform_9(%arg0: i32, %arg1: i32) -> (i32, i32) {
    %c0_i32 = arith.constant 0 : i32
    %c0_i32_0 = arith.constant 0 : i32
    %c0_i32_1 = arith.constant 0 : i32
    return %c0_i32, %c0_i32_0 : i32, i32
  }
  func.func @transform_10(%arg0: i32, %arg1: i32) -> (i32, i32, i32) {
    %c0_i32 = arith.constant 0 : i32
    %c0_i32_0 = arith.constant 0 : i32
    return %arg0, %arg1, %c0_i32 : i32, i32, i32
  }
}

module attributes {stable_mosaic.version = 14 : i64} {
  func.func @_comb_body(%arg0: i32, %arg1: memref<2x2048xi32, #tpu.memory_space<vmem>>, %arg2: memref<2000x128xf32, #tpu.memory_space<vmem>>, %arg3: memref<2000x128xf32, #tpu.memory_space<vmem>>, %arg4: memref<2000x128xf32, #tpu.memory_space<vmem>>) attributes {dimension_semantics = [#tpu.dimension_semantics<arbitrary>], iteration_bounds = array<i64: 10>, scalar_prefetch = 0 : i64, scratch_operands = 0 : i64, tpu.core_type = #tpu.core_type<tc>, window_params = [{pipeline_mode = #tpu.pipeline_mode<synchronous>, transform_indices = @transform_0, window_bounds = array<i64: 2, 2048>}, {transform_indices = @transform_1, window_bounds = array<i64: 2000, 128>}, {transform_indices = @transform_2, window_bounds = array<i64: 2000, 128>}, {transform_indices = @transform_3, window_bounds = array<i64: 2000, 128>}]} {
    %jit3A = arith.constant 5 : i32
    %div3A = arith.divsi %arg0, %jit3A : i32
    %sign3A = arith.constant 0 : i32
    %sign3A_0 = arith.cmpi sgt, %arg0, %sign3A : i32
    %sign3A_1 = arith.extui %sign3A_0 : i1 to i32
    %sign3A_2 = arith.constant 0 : i32
    %sign3A_3 = arith.cmpi slt, %arg0, %sign3A_2 : i32
    %sign3A_4 = arith.extui %sign3A_3 : i1 to i32
    %sign3A_5 = arith.subi %sign3A_1, %sign3A_4 : i32
    %sign3A_6 = arith.constant 0 : i32
    %sign3A_7 = arith.cmpi sgt, %jit3A, %sign3A_6 : i32
    %sign3A_8 = arith.extui %sign3A_7 : i1 to i32
    %sign3A_9 = arith.constant 0 : i32
    %sign3A_10 = arith.cmpi slt, %jit3A, %sign3A_9 : i32
    %sign3A_11 = arith.extui %sign3A_10 : i1 to i32
    %sign3A_12 = arith.subi %sign3A_8, %sign3A_11 : i32
    %ne3A = arith.cmpi ne, %sign3A_5, %sign3A_12 : i32
    %rem3A = arith.remsi %arg0, %jit3A : i32
    %ne3A_13 = arith.constant 0 : i32
    %ne3A_14 = arith.cmpi ne, %rem3A, %ne3A_13 : i32
    %and3A = arith.andi %ne3A, %ne3A_14 : i1
    %sub3A = arith.constant 1 : i32
    %sub3A_15 = arith.subi %div3A, %sub3A : i32
    %select_n3A = arith.select %and3A, %sub3A_15, %div3A : i32
    %jit3A_16 = arith.constant 5 : i32
    %eq3A = arith.constant 0 : i32
    %eq3A_17 = arith.cmpi eq, %jit3A_16, %eq3A : i32
    %jit3A_18 = arith.constant 1 : i32
    %select_n3A_19 = arith.select %eq3A_17, %jit3A_18, %jit3A_16 : i32
    %rem3A_20 = arith.remsi %arg0, %select_n3A_19 : i32
    %ne3A_21 = arith.constant 0 : i32
    %ne3A_22 = arith.cmpi ne, %rem3A_20, %ne3A_21 : i32
    %lt3A = arith.constant 0 : i32
    %lt3A_23 = arith.cmpi slt, %rem3A_20, %lt3A : i32
    %lt3A_24 = arith.constant 0 : i32
    %lt3A_25 = arith.cmpi slt, %select_n3A_19, %lt3A_24 : i32
    %ne3A_26 = arith.xori %lt3A_23, %lt3A_25 : i1
    %and3A_27 = arith.andi %ne3A_26, %ne3A_22 : i1
    %add3A = arith.addi %rem3A_20, %select_n3A_19 : i32
    %select_n3A_28 = arith.select %and3A_27, %add3A, %rem3A_20 : i32
    %mul3A = arith.constant 2000 : i32
    %mul3A_29 = arith.muli %select_n3A_28, %mul3A : i32
    %iota3A = tpu.iota {dimensions = array<i32: 0>} : vector<2000x1xi32>
    %add3A_30 = vector.broadcast %mul3A_29 : i32 to vector<2000x1xi32>
    %add3A_31 = arith.addi %add3A_30, %iota3A : vector<2000x1xi32>
    %broadcast_in_dim3A = arith.constant 0.000000e+00 : f32
    %broadcast_in_dim3A_32 = vector.broadcast %broadcast_in_dim3A : f32 to vector<2000x1xf32>
    %get3A = arith.index_cast %select_n3A : i32 to index
    %get3A_33 = arith.constant 0 : index
    %get3A_34 = vector.load %arg1[%get3A, %get3A_33] : memref<2x2048xi32, #tpu.memory_space<vmem>>, vector<1x512xi32>
    %eq3A_35 = vector.broadcast %get3A_34 : vector<1x512xi32> to vector<2000x512xi32>
    %eq3A_36 = vector.broadcast %add3A_31 : vector<2000x1xi32> to vector<2000x512xi32>
    %eq3A_37 = arith.cmpi eq, %eq3A_35, %eq3A_36 : vector<2000x512xi32>
    %convert_element_type3A = arith.extui %eq3A_37 : vector<2000x512xi1> to vector<2000x512xi32>
    %convert_element_type3A_38 = arith.sitofp %convert_element_type3A : vector<2000x512xi32> to vector<2000x512xf32>
    %reduce_sum3A = arith.constant dense<0.000000e+00> : vector<2000xf32>
    %reduce_sum3A_39 = vector.multi_reduction <add>, %convert_element_type3A_38, %reduce_sum3A [1] : vector<2000x512xf32> to vector<2000xf32>
    %broadcast_in_dim3A_40 = vector.shape_cast %reduce_sum3A_39 : vector<2000xf32> to vector<2000x1xf32>
    %add3A_41 = arith.addf %broadcast_in_dim3A_32, %broadcast_in_dim3A_40 : vector<2000x1xf32>
    %get3A_42 = arith.index_cast %select_n3A : i32 to index
    %get3A_43 = arith.constant 512 : index
    %get3A_44 = vector.load %arg1[%get3A_42, %get3A_43] : memref<2x2048xi32, #tpu.memory_space<vmem>>, vector<1x512xi32>
    %eq3A_45 = vector.broadcast %get3A_44 : vector<1x512xi32> to vector<2000x512xi32>
    %eq3A_46 = vector.broadcast %add3A_31 : vector<2000x1xi32> to vector<2000x512xi32>
    %eq3A_47 = arith.cmpi eq, %eq3A_45, %eq3A_46 : vector<2000x512xi32>
    %convert_element_type3A_48 = arith.extui %eq3A_47 : vector<2000x512xi1> to vector<2000x512xi32>
    %convert_element_type3A_49 = arith.sitofp %convert_element_type3A_48 : vector<2000x512xi32> to vector<2000x512xf32>
    %reduce_sum3A_50 = arith.constant dense<0.000000e+00> : vector<2000xf32>
    %reduce_sum3A_51 = vector.multi_reduction <add>, %convert_element_type3A_49, %reduce_sum3A_50 [1] : vector<2000x512xf32> to vector<2000xf32>
    %broadcast_in_dim3A_52 = vector.shape_cast %reduce_sum3A_51 : vector<2000xf32> to vector<2000x1xf32>
    %add3A_53 = arith.addf %add3A_41, %broadcast_in_dim3A_52 : vector<2000x1xf32>
    %get3A_54 = arith.index_cast %select_n3A : i32 to index
    %get3A_55 = arith.constant 1024 : index
    %get3A_56 = vector.load %arg1[%get3A_54, %get3A_55] : memref<2x2048xi32, #tpu.memory_space<vmem>>, vector<1x512xi32>
    %eq3A_57 = vector.broadcast %get3A_56 : vector<1x512xi32> to vector<2000x512xi32>
    %eq3A_58 = vector.broadcast %add3A_31 : vector<2000x1xi32> to vector<2000x512xi32>
    %eq3A_59 = arith.cmpi eq, %eq3A_57, %eq3A_58 : vector<2000x512xi32>
    %convert_element_type3A_60 = arith.extui %eq3A_59 : vector<2000x512xi1> to vector<2000x512xi32>
    %convert_element_type3A_61 = arith.sitofp %convert_element_type3A_60 : vector<2000x512xi32> to vector<2000x512xf32>
    %reduce_sum3A_62 = arith.constant dense<0.000000e+00> : vector<2000xf32>
    %reduce_sum3A_63 = vector.multi_reduction <add>, %convert_element_type3A_61, %reduce_sum3A_62 [1] : vector<2000x512xf32> to vector<2000xf32>
    %broadcast_in_dim3A_64 = vector.shape_cast %reduce_sum3A_63 : vector<2000xf32> to vector<2000x1xf32>
    %add3A_65 = arith.addf %add3A_53, %broadcast_in_dim3A_64 : vector<2000x1xf32>
    %get3A_66 = arith.index_cast %select_n3A : i32 to index
    %get3A_67 = arith.constant 1536 : index
    %get3A_68 = vector.load %arg1[%get3A_66, %get3A_67] : memref<2x2048xi32, #tpu.memory_space<vmem>>, vector<1x512xi32>
    %eq3A_69 = vector.broadcast %get3A_68 : vector<1x512xi32> to vector<2000x512xi32>
    %eq3A_70 = vector.broadcast %add3A_31 : vector<2000x1xi32> to vector<2000x512xi32>
    %eq3A_71 = arith.cmpi eq, %eq3A_69, %eq3A_70 : vector<2000x512xi32>
    %convert_element_type3A_72 = arith.extui %eq3A_71 : vector<2000x512xi1> to vector<2000x512xi32>
    %convert_element_type3A_73 = arith.sitofp %convert_element_type3A_72 : vector<2000x512xi32> to vector<2000x512xf32>
    %reduce_sum3A_74 = arith.constant dense<0.000000e+00> : vector<2000xf32>
    %reduce_sum3A_75 = vector.multi_reduction <add>, %convert_element_type3A_73, %reduce_sum3A_74 [1] : vector<2000x512xf32> to vector<2000xf32>
    %broadcast_in_dim3A_76 = vector.shape_cast %reduce_sum3A_75 : vector<2000xf32> to vector<2000x1xf32>
    %add3A_77 = arith.addf %add3A_65, %broadcast_in_dim3A_76 : vector<2000x1xf32>
    %get3A_78 = arith.constant 0 : index
    %get3A_79 = arith.constant 0 : index
    %get3A_80 = vector.load %arg2[%get3A_78, %get3A_79] : memref<2000x128xf32, #tpu.memory_space<vmem>>, vector<2000x128xf32>
    %max3A = arith.constant 1.000000e+00 : f32
    %max3A_81 = vector.broadcast %max3A : f32 to vector<2000x1xf32>
    %max3A_82 = arith.maximumf %add3A_77, %max3A_81 : vector<2000x1xf32>
    %div3A_83 = vector.broadcast %max3A_82 : vector<2000x1xf32> to vector<2000x128xf32>
    %div3A_84 = arith.divf %get3A_80, %div3A_83 : vector<2000x128xf32>
    %ne3A_85 = arith.constant 0.000000e+00 : f32
    %ne3A_86 = vector.broadcast %ne3A_85 : f32 to vector<2000x128xf32>
    %ne3A_87 = arith.cmpf one, %div3A_84, %ne3A_86 : vector<2000x128xf32>
    %get3A_88 = arith.constant 0 : index
    %get3A_89 = arith.constant 0 : index
    %get3A_90 = vector.load %arg3[%get3A_88, %get3A_89] : memref<2000x128xf32, #tpu.memory_space<vmem>>, vector<2000x128xf32>
    %select_n3A_91 = arith.select %ne3A_87, %div3A_84, %get3A_90 : vector<2000x128xi1>, vector<2000x128xf32>
    %swap3A = arith.constant 0 : index
    %swap3A_92 = arith.constant 0 : index
    %swap3A_93 = vector.load %arg4[%swap3A, %swap3A_92] : memref<2000x128xf32, #tpu.memory_space<vmem>>, vector<2000x128xf32>
    tpu.vector_store %arg4[%swap3A, %swap3A_92], %select_n3A_91 {strides = array<i32>} : memref<2000x128xf32, #tpu.memory_space<vmem>>, vector<2000x128xf32>,
    return
  }
  func.func @transform_0(%arg0: i32) -> (i32, i32) {
    %c0_i32 = arith.constant 0 : i32
    %c0_i32_0 = arith.constant 0 : i32
    %c0_i32_1 = arith.constant 0 : i32
    return %c0_i32, %c0_i32_0 : i32, i32
  }
  func.func @transform_1(%arg0: i32) -> (i32, i32) {
    %c0_i32 = arith.constant 0 : i32
    %c0_i32_0 = arith.constant 0 : i32
    return %arg0, %c0_i32 : i32, i32
  }
  func.func @transform_2(%arg0: i32) -> (i32, i32) {
    %c0_i32 = arith.constant 0 : i32
    %c0_i32_0 = arith.constant 0 : i32
    return %arg0, %c0_i32 : i32, i32
  }
  func.func @transform_3(%arg0: i32) -> (i32, i32) {
    %c0_i32 = arith.constant 0 : i32
    %c0_i32_0 = arith.constant 0 : i32
    return %arg0, %c0_i32 : i32, i32
  }
}

</mosaic_0001>

<sc_bundles>
// kernel: kernel.11.cloned.1.call-start
scs
__scs_entry_jumppad:
0x0: {  	(pc) =	sbr.rel $0x88, $3  }
0x1: {  	(tag) =	ssettag $0x0;
	lr =	simm.s32 $0x1  }
0x2: {  	[smem:$0x3F8E] =	sst lr;
	_ =	strace $0xD0000000  }
0x3: {  	_ = 	snop  }
0x4: {  	_ = 	snop  }
0x5: {  	_ = 	snop  }
0x6: {  	_ = 	snop  }
0x7: {  	_ = 	snop  }
__scs_overlays_trampoline_lowered:
0x8: {  	[smem:$0x3F9D] =	sst s0  }
0x9: {  	[smem:$0x3F9E] =	sst s1  }
0xa: {  	[smem:$0x3F9F] =	sst s2  }
0xb: {  	[smem:$0x3FA0] =	sst s3  }
0xc: {  	[smem:$0x3FA1] =	sst s4  }
0xd: {  	[smem:$0x3FA2] =	sst s5  }
0xe: {  	[smem:$0x3FA3] =	sst s6  }
0xf: {  	[smem:$0x3FA4] =	sst s7  }
0x10: {  	[smem:$0x3FA5] =	sst s8  }
0x11: {  	[smem:$0x3FA6] =	sst s9;
	s0 =	simm.s32 @!p0 $0x0  }
0x12: {  	s1 =	sld [smem:$0x3F8C];
	s0 =	simm.s32 @p0 $0x1  }
0x13: {  	[smem:$0x3FA7] =	sst s0;
	s0 =	simm.s32 @!p1 $0x0  }
0x14: {  	s2 =	sld [smem:$0x3F8B];
	s0 =	simm.s32 @p1 $0x1  }
0x15: {  	[smem:$0x3FA8] =	sst s0;
	s0 =	simm.s32 @!p2 $0x0  }
0x16: {  	s3 =	sld [smem:$0x3FDB];
	s0 =	simm.s32 @p2 $0x1  }
0x17: {  	s4 =	simm.s32 $0x1BF5;
	[smem:$0x3FAA] =	sst s0  }
0x18: {  	s0 =	sld [smem:$0x3F8D];
	_ =	swait.ge [sflag:s4], $0x0  }
0x19: {  	s7 =	sld [smem:$0x3F8E]  }
0x1a: {  	s8 =	sadd.s32 $0xFFFFE003, lr  }
0x1b: {  	s9 =	sadd.s32 $0xFFFFFEF7, lr;
	s5 =	simm.s32 $0xFFFFFFFF;
	p2 =	slt.u32 s8, $0xFFFFF086  }
0x1c: {  	p1 =	slt.u32 s9, $0xF7A;
	s5 =	simm.s32 @!p2 $0x0  }
0x1d: {  	s5 =	simm.s32 @p1 $0x1;
	p0 =	seq.s32 s7, s2  }
0x1e: {  	s7 =	smul.u32 @!p0 $0xF7A, s2;
	p2 =	seq.s32 @!p0 s5, $0x0  }
0x1f: {  	s9 =	smul.u32 $0xF7A, s1;
	s8 =	simm.s32 @!p0 $0x1BF5;
	p2 =	por !p2, p0  }
0x20: {  	[sflag:s8] =	ssyncset.s32 @!p0 $0xFFFFF086;
	s6 =	sadd.s32 @!p0 s3, s7;
	s7 =	simm.s32 @!p0 $0x108  }
0x21: {  	s3 =	sadd.s32 s3, s9;
	s6 =	sadd.s32 @!p0 $0x88, s6;
	s7 =	simm.s32 @p2 $0x1082  }
0x22: {  	[simem:s7], [sflag:s8] =	dma.local @!p0 [hbm:s6], $0xF7A  }
0x23: {  	s9 =	sor.u32 $0xD0000000, s2;
	s6 =	simm.s32 $0x108;
	_ =	swait.ge @!p0 [sflag:s8], $0x0  }
0x24: {  	s3 =	sadd.s32 $0x88, s3;
	s6 =	simm.s32 @!p1 $0x1082;
	[sflag:s4] =	ssyncset.s32 $0xFFFFF086  }
0x25: {  	[simem:s6], [sflag:s4] =	dma.local [hbm:s3], $0xF7A  }
0x26: {  	[smem:$0x3F8E] =	sst s1;
	(tag) =	ssettag s2;
	_ =	strace s9  }
0x27: {  	s1 =	sld [smem:$0x3F9E]  }
0x28: {  	s2 =	sld [smem:$0x3F9F]  }
0x29: {  	s4 =	sld [smem:$0x3FA1]  }
0x2a: {  	p0 =	seq.s32 s5, $0x0;
	s5 =	sld [smem:$0x3FA2]  }
0x2b: {  	s6 =	sld [smem:$0x3FA3]  }
0x2c: {  	s7 =	sld [smem:$0x3FA4]  }
0x2d: {  	s3 =	simm.s32 $0x108;
	s8 =	sld [smem:$0x3FA5]  }
0x2e: {  	s3 =	simm.s32 @!p0 $0x1082;
	s9 =	sld [smem:$0x3FA6]  }
0x2f: {  	lr =	sadd.s32 s0, s3;
	s0 =	sld [smem:$0x3F9D]  }
0x30: {  	s3 =	sld [smem:$0x3FA0]  }
0x31: {  	[smem:$0x3FA9] =	sst s10  }
0x32: {  	s10 =	sld [smem:$0x3FA7];
	_ =	sdelay $0x3  }
0x33: {  	p0 =	seq.s32 s10, $0x1;
	s10 =	sld [smem:$0x3FA9];
	_ =	sdelay $0x3  }
0x34: {  	[smem:$0x3FA9] =	sst s10  }
0x35: {  	s10 =	sld [smem:$0x3FA8];
	_ =	sdelay $0x3  }
0x36: {  	p1 =	seq.s32 s10, $0x1;
	s10 =	sld [smem:$0x3FA9];
	_ =	sdelay $0x3  }
0x37: {  	[smem:$0x3FA9] =	sst s10  }
0x38: {  	s10 =	sld [smem:$0x3FAA]  }
0x39: {  	_ = 	snop;
	(pc) =	sbr.ind lr, $3  }
0x3a: {  	_ = 	snop  }
0x3b: {  	_ = 	snop  }
0x3c: {  	p2 =	seq.s32 s10, $0x1;
	s10 =	sld [smem:$0x3FA9]  }
0x3d: {  	_ =	shalt  }
0x3e: {  	_ =	shalt  }
0x3f: {  	_ =	shalt  }
0x40: {  	_ =	shalt  }
0x41: {  	_ =	shalt  }
0x42: {  	_ =	shalt  }
0x43: {  	_ =	shalt  }
0x44: {  	_ =	shalt  }
0x45: {  	_ =	shalt  }
0x46: {  	_ =	shalt  }
0x47: {  	_ =	shalt  }
0x48: {  	_ =	shalt  }
0x49: {  	_ =	shalt  }
0x4a: {  	_ =	shalt  }
0x4b: {  	_ =	shalt  }
0x4c: {  	_ =	shalt  }
0x4d: {  	_ =	shalt  }
0x4e: {  	_ =	shalt  }
0x4f: {  	_ =	shalt  }
0x50: {  	_ =	shalt  }
0x51: {  	_ =	shalt  }
0x52: {  	_ =	shalt  }
0x53: {  	_ =	shalt  }
0x54: {  	_ =	shalt  }
0x55: {  	_ =	shalt  }
0x56: {  	_ =	shalt  }
0x57: {  	_ =	shalt  }
0x58: {  	_ =	shalt  }
0x59: {  	_ =	shalt  }
0x5a: {  	_ =	shalt  }
0x5b: {  	_ =	shalt  }
0x5c: {  	_ =	shalt  }
0x5d: {  	_ =	shalt  }
0x5e: {  	_ =	shalt  }
0x5f: {  	_ =	shalt  }
0x60: {  	_ =	shalt  }
0x61: {  	_ =	shalt  }
0x62: {  	_ =	shalt  }
0x63: {  	_ =	shalt  }
0x64: {  	_ =	shalt  }
0x65: {  	_ =	shalt  }
0x66: {  	_ =	shalt  }
0x67: {  	_ =	shalt  }
0x68: {  	_ =	shalt  }
0x69: {  	_ =	shalt  }
0x6a: {  	_ =	shalt  }
0x6b: {  	_ =	shalt  }
0x6c: {  	_ =	shalt  }
0x6d: {  	_ =	shalt  }
0x6e: {  	_ =	shalt  }
0x6f: {  	_ =	shalt  }
0x70: {  	_ =	shalt  }
0x71: {  	_ =	shalt  }
0x72: {  	_ =	shalt  }
0x73: {  	_ =	shalt  }
0x74: {  	_ =	shalt  }
0x75: {  	_ =	shalt  }
0x76: {  	_ =	shalt  }
0x77: {  	_ =	shalt  }
0x78: {  	_ =	shalt  }
0x79: {  	_ =	shalt  }
0x7a: {  	_ =	shalt  }
0x7b: {  	_ =	shalt  }
0x7c: {  	_ =	shalt  }
0x7d: {  	_ =	shalt  }
0x7e: {  	_ =	shalt  }
0x7f: {  	_ =	shalt  }
0x80: {  	_ =	shalt  }
0x81: {  	_ =	shalt  }
0x82: {  	_ =	shalt  }
0x83: {  	_ =	shalt  }
0x84: {  	_ =	shalt  }
0x85: {  	_ =	shalt  }
0x86: {  	_ =	shalt  }
0x87: {  	_ =	shalt  }
.Lfunc_end0:
.L_simem_size_0:
called_computation.1_lowered:
.L_overlay_start_0:
0x88: {  	s2 =	sld [smem:$0x3FD9]  }
0x89: {  	s3 =	sld [smem:$0x3FFE];
	_ =	sdelay $0x1  }
0x8a: {  	s1 =	srdreg.scid  }
0x8b: {  	s0 =	sand.u32 $0x1, s1  }
0x8c: {  	s16 =	sshll.u32 s0, $0xA;
	s2 =	sadd.s32 s3, s2  }
0x8d: {  	s2 =	sadd.s32 s2, s16  }
0x8e: {  	[smem:$0x3FB5] =	sst s2  }
0x8f: {  	_ = 	snop  }
0x90: {  	(tm) =	ssettm $0x1  }
0x91: {  	s17 =	sld [smem:$0x3FFB];
	_ =	sdelay $0x3  }
0x92: {  	_ =	strace s17  }
0x93: {  	s2 =	sld [smem:$0x3FFC];
	_ =	sdelay $0x3  }
0x94: {  	_ =	strace s2  }
0x95: {  	s2 =	sld [smem:$0x3FFD];
	_ =	sdelay $0x3  }
0x96: {  	_ =	strace s2  }
0x97: {  	_ =	strace $0x8FFFFFFF  }
0x98: {  	s18 =	sld [smem:$0x3FDB];
	_ =	sdelay $0x1  }
0x99: {  	s19 =	simm.s32 $_scs_section_size  }
0x9a: {  	s4 =	simm.s32 $_size__tile_overlayer_lowered;
	s5 =	simm.s32 $_tile_overlayer_lowered  }
0x9b: {  	s22 =	simm.s32 $0x1BFF;
	s21 =	sshll.u32 s5, $0x1;
	s2 =	sadd.s32 s19, s18  }
0x9c: {  	s6 =	simm.s32 $0x0;
	s20 =	sshll.u32 s4, $0x1;
	s4 =	sadd.s32 s21, s2  }
0x9d: {  	[timem:s6], [sflag:s22] =	dma.local [hbm:s4], s20  }
0x9e: {  	_ =	swait.ge [sflag:s22], s20  }
0x9f: {  	s3 =	ssub.s32 $0x0, s20;
	[sflag:s22] =	ssyncset.done $0x0  }
0xa0: {  	[sflag:s22] =	ssyncadd.s32 s3;
	_ =	sdelay $0x1  }
0xa1: {  	s23 =	simm.s32 $0x1B8B  }
0xa2: {  	_ =	swait.ge [sflag:s23], $0x1  }
0xa3: {  	[sflag:s23] =	ssyncset.done $0x0  }
0xa4: {  	s25 =	simm.s32 $0x1B8E;
	s24 =	sld [smem:$0x3FFE];
	[sflag:s23] =	ssyncadd.s32 $0xFFFFFFFF  }
0xa5: {  	s26 =	simm.s32 $execute0_lowered;
	[smem:$0x3FD2] =	sst s25  }
0xa6: {  	s4 =	sshll.u32 s26, $0x1;
	_ =	strace $0x80000049;
	[dreg:$0x1] =	wrdreg $0xFFFFFFFF  }
0xa7: {  	s28 =	simm.s32 $_size_execute0_lowered;
	s2 =	sadd.s32 s2, s4;
	[dreg:$0x0] =	wrdreg $0x0  }
0xa8: {  	s4 =	sshll.u32 s28, $0x1;
	[dreg:$0x2] =	wrdreg s2  }
0xa9: {  	[dreg:$0x3] =	wrdreg s4  }
0xaa: {  	[dreg:$0x4] =	wrdreg $0xC0  }
0xab: {  	_ =	task [dreg:s6], $0x5FFFF  }
0xac: {  	[dreg:$0x1] =	wrdreg $0xFFFFFFFF  }
0xad: {  	[dreg:$0x0] =	wrdreg $0x60  }
0xae: {  	[dreg:$0x2] =	wrdreg s24  }
0xaf: {  	[dreg:$0x3] =	wrdreg $0x40800  }
0xb0: {  	[dreg:$0x4] =	wrdreg $0x9  }
0xb1: {  	_ =	task.clear_ibuf [dreg:s6], $0x5FFFF;
	_ =	strace $0x90000049  }
0xb2: {  	s29 =	simm.s32 $0x9;
	_ =	strace $0x8000004B  }
0xb3: {  	_ =	swait.ge [sflag:s29], $0x1  }
0xb4: {  	[sflag:s29] =	ssyncadd.s32 $0xFFFFFFFF  }
0xb5: {  	_ =	strace $0x9000004B  }
0xb6: {  	_ =	sfence  }
0xb7: {  	s30 =	sld [smem:$0x0];
	_ =	sdelay $0x2  }
0xb8: {  	s31 =	sshll.u32 s1, $0xD;
	s1 =	sshrl.u32 s1, $0x2  }
0xb9: {  	s3 =	sand.u32 $0x4000, s31;
	s1 =	sadd.s32 s1, s30  }
0xba: {  	s0 =	sor.u32 s3, s0;
	s1 =	sshll.u32 s1, $0x11  }
0xbb: {  	s0 =	sor.u32 s1, s0  }
0xbc: {  	s0 =	sadd.s32 $0x8F2B, s0  }
0xbd: {  	[sflag:s0] =	ssyncadd.remote.s32 $0x1  }
0xbe: {  	_ =	sfence.sel $0xFFFF  }
0xbf: {  	[dreg:$0x0] =	wrdreg $0xFFFFFFFF;
	(pc) =	sbr.abs _section_cstart, $3  }
0xc0: {  	[dreg:$0x1] =	wrdreg $0xFFFFFFFF  }
0xc1: {  	_ =	task.clear_ibuf [dreg:s6], $0x2FFFF;
	_ =	strace $0x9FFFFFFF  }
0xc2: {  	(tm) =	ssettm $0x7FFFFFFF  }
0xc3: {  	_ =	shalt  }
tec
execute0_lowered:
.L_overlay_start_1:
0x0: {  	(tag) =	ssettag $0x1  }
0x1: {  	s11 =	rddreg [dreg:$0x0]  }
0x2: {  	s2 =	rddreg [dreg:$0x1]  }
0x3: {  	s0 =	rddreg [dreg:$0x2];
	s1 =	stileid.u32  }
0x4: {  	s3 =	simm.s32 $0x0;
	s4 =	srdreg.scid;
	s12 =	smul.u32 $0x2800, s1  }
0x5: {  	[smem:$0x7FF] =	sst s3;
	s13 =	sand.u32 $0x1, s4;
	s25 =	smul.u32 $0x50000, s1  }
0x6: {  	s6 =	sshll.u32 s1, $0x7;
	s29 =	sshll.u32 s1, $0x6;
	s5 =	sshll.u32 s13, $0xB  }
0x7: {  	_ =	strace $0x8000004A;
	s9 =	sor.u32 s6, s5;
	s4 =	sshrl.u32 s25, $0x2  }
0x8: {  	s26 =	sadd.s32 s12, s11;
	s5 =	sor.u32 $0x1C01, s29;
	s28 =	sadd.s32 s4, s2  }
0x9: {  	s6 =	simm.s32 $0x1;
	s4 =	sadd.s32 $0x34A00, s26;
	s7 =	sshrl.u32 s28, $0x3  }
0xa: {  	[spmem:s7], [sflag:s5] =	dma.local [hbm:s4], $0x2800  }
0xb: {  	s8 =	sshrl.u32 s9, $0x3;
	_ =	swait.ge [sflag:s6], $0x2800  }
0xc: {  	s8 =	sadd.s32 s8, s11;
	[sflag:s6] =	ssyncset.done $0x0  }
0xd: {  	s8 =	sadd.s32 $0x24800, s8;
	[sflag:s6] =	ssyncadd.s32 $0xFFFFD800  }
0xe: {  	[tilespmem:s3], [sflag:$0x1] =	stream.linear.gather [hbm4b:s8+s3], $0x80, $0x38;
	[tilespmem:$0x18080] =	vst v63  }
0xf: {  	s9 =	sshll.u32 s9, $0x4;
	_ =	swait.ge [sflag:s6], $0x80  }
0x10: {  	s9 =	sadd.s32 s9, s11;
	[sflag:s6] =	ssyncset.done $0x0  }
0x11: {  	s10 =	simm.s32 $0x80;
	s9 =	sadd.s32 $0x24A00, s9;
	[sflag:s6] =	ssyncadd.s32 $0xFFFFFF80  }
0x12: {  	[tilespmem:s10], [sflag:$0x1] =	stream.linear.gather [hbm4b:s9+s3], $0x4000, $0x38;
	[tilespmem:$0x18080] =	vst v63  }
0x13: {  	_ =	swait.ge [sflag:s6], $0x4000  }
0x14: {  	s14 =	smul.u32 $0x28000, s13;
	s13 =	ssub.s32 $0x2, s13;
	[sflag:s6] =	ssyncset.done $0x0  }
0x15: {  	s30 =	sshrl.u32 s13, $0x1;
	[sflag:s6] =	ssyncadd.s32 $0xFFFFC000  }
0x16: {  	s12 =	sadd.s32 s12, s14;
	s31 =	ssub.s32 s13, s30;
	[bflag:$0x0] =	sbarrier.arrive $0xFFFF  }
0x17: {  	[spmem:s2] =	stream.indirect.scatter.add.f32 [tilespmem:s10], [sflag:$0x1], $0x80, s3, s10, $0xb8;
	[tilespmem:$0x18080] =	vst v63  }
0x18: {  	s11 =	sadd.s32 s12, s11;
	s12 =	smax.u32 s31, $0x1;
	_ =	swait.ge [sflag:s6], $0x4000  }
0x19: {  	p0 =	sne.s32 s12, $0x1;
	[sflag:s6] =	ssyncset.done $0x0  }
.Ltmp0:
0x1a: {  	[sflag:s6] =	ssyncadd.s32 $0xFFFFC000;
	(pc) =	sbr.rel @!p0 .LBB2_2-.Ltmp0, $4  }
0x1b: {  	s11 =	sadd.s32 $0x5CA00, s11;
	[bflag:$0x0] =	sbarrier.arrive $0xFFFF  }
0x1c: {  	[hbm:s11], [sflag:s5] =	dma.local [spmem:s7], $0x2800  }
0x1d: {  	_ =	swait.ge [sflag:s6], $0x2800  }
0x1e: {  	s12 =	sadd.s32 $0xFFFFFFFF, s12;
	[sflag:s6] =	ssyncset.done $0x0  }
.LBB2_1:
0x1f: {  	p0 =	sne.s32 s12, $0x1;
	s12 =	sadd.s32 $0xFFFFFFFF, s12;
	[sflag:s6] =	ssyncadd.s32 $0xFFFFD800  }
0x20: {  	[spmem:s7], [sflag:s5] =	dma.local [hbm:s4], $0x2800  }
0x21: {  	_ =	swait.ge [sflag:s6], $0x2800  }
0x22: {  	[sflag:s6] =	ssyncset.done $0x0  }
0x23: {  	[sflag:s6] =	ssyncadd.s32 $0xFFFFD800  }
0x24: {  	[tilespmem:s3], [sflag:$0x1] =	stream.linear.gather [hbm4b:s8+s3], $0x80, $0x38;
	[tilespmem:$0x18080] =	vst v63  }
0x25: {  	_ =	swait.ge [sflag:s6], $0x80  }
0x26: {  	[sflag:s6] =	ssyncset.done $0x0  }
0x27: {  	[sflag:s6] =	ssyncadd.s32 $0xFFFFFF80  }
0x28: {  	[tilespmem:s10], [sflag:$0x1] =	stream.linear.gather [hbm4b:s9+s3], $0x4000, $0x38;
	[tilespmem:$0x18080] =	vst v63  }
0x29: {  	_ =	swait.ge [sflag:s6], $0x4000  }
0x2a: {  	[sflag:s6] =	ssyncset.done $0x0  }
0x2b: {  	[sflag:s6] =	ssyncadd.s32 $0xFFFFC000  }
0x2c: {  	[bflag:$0x0] =	sbarrier.arrive $0xFFFF  }
0x2d: {  	[spmem:s2] =	stream.indirect.scatter.add.f32 [tilespmem:s10], [sflag:$0x1], $0x80, s3, s10, $0xb8;
	[tilespmem:$0x18080] =	vst v63  }
0x2e: {  	_ =	swait.ge [sflag:s6], $0x4000  }
0x2f: {  	[sflag:s6] =	ssyncset.done $0x0  }
.Ltmp1:
0x30: {  	[sflag:s6] =	ssyncadd.s32 $0xFFFFC000;
	(pc) =	sbr.rel @p0 .LBB2_1-.Ltmp1, $4  }
0x31: {  	[bflag:$0x0] =	sbarrier.arrive $0xFFFF  }
0x32: {  	[hbm:s11], [sflag:s5] =	dma.local [spmem:s7], $0x2800  }
0x33: {  	_ =	swait.ge [sflag:s6], $0x2800  }
0x34: {  	[sflag:s6] =	ssyncset.done $0x0  }
.LBB2_2:
0x35: {  	[sflag:s6] =	ssyncadd.s32 $0xFFFFD800  }
0x36: {  	_ =	sfence.sel $0x180000  }
0x37: {  	[bflag:$0x0] =	sbarrier.arrive $0xFFFF  }
0x38: {  	p0 =	sne.s32 s1, $0x0;
	_ =	strace $0x9000004A  }
0x39: {  	s0 =	sadd.s32 @!p0 $0x100000, s0;
	[bflag:$0x2] =	sbarrier.arrive $0xFFFF  }
0x3a: {  	[sflag:s0] =	ssyncadd.tile.s32 @!p0 $0x1;
	_ =	shalt  }
.Lfunc_end2:
_tile_overlayer_lowered:
.L_overlay_start_2:
0x3b: {  	(tag) =	ssettag $0x2  }
0x3c: {  	s0 =	rddreg [dreg:$0x0];
	s2 =	stileid.u32  }
0x3d: {  	s1 =	rddreg [dreg:$0x1];
	p0 =	sne.s32 s2, $0x0  }
0x3e: {  	s3 =	rddreg [dreg:$0x2];
	[bflag:$0x3] =	sbarrier.arrive $0xFFFF;
	s2 =	simm.s32 @!p0 $0x1C01  }
0x3f: {  	[timem:s3], [sflag:s2] =	dma.local @!p0 [hbm:s0], s1  }
0x40: {  	s0 =	simm.s32 @!p0 $0x1  }
0x41: {  	_ =	swait.ge @!p0 [sflag:s0], s1  }
0x42: {  	s1 =	ssub.s32 @!p0 $0x0, s1;
	[sflag:s0] =	ssyncset.done @!p0 $0x0  }
0x43: {  	[sflag:s0] =	ssyncadd.s32 @!p0 s1  }
0x44: {  	[bflag:$0x3] =	sbarrier.arrive $0xFFFF  }
0x45: {  	_ =	shalt  }

// kernel: kernel.8.cloned.1.call-start
scs
__scs_entry_jumppad:
0x0: {  	(pc) =	sbr.rel $0x88, $3  }
0x1: {  	(tag) =	ssettag $0x0;
	lr =	simm.s32 $0x1  }
0x2: {  	[smem:$0x3F8E] =	sst lr;
	_ =	strace $0xD0000000  }
0x3: {  	_ = 	snop  }
0x4: {  	_ = 	snop  }
0x5: {  	_ = 	snop  }
0x6: {  	_ = 	snop  }
0x7: {  	_ = 	snop  }
__scs_overlays_trampoline_lowered:
0x8: {  	[smem:$0x3F9D] =	sst s0  }
0x9: {  	[smem:$0x3F9E] =	sst s1  }
0xa: {  	[smem:$0x3F9F] =	sst s2  }
0xb: {  	[smem:$0x3FA0] =	sst s3  }
0xc: {  	[smem:$0x3FA1] =	sst s4  }
0xd: {  	[smem:$0x3FA2] =	sst s5  }
0xe: {  	[smem:$0x3FA3] =	sst s6  }
0xf: {  	[smem:$0x3FA4] =	sst s7  }
0x10: {  	[smem:$0x3FA5] =	sst s8  }
0x11: {  	[smem:$0x3FA6] =	sst s9;
	s0 =	simm.s32 @!p0 $0x0  }
0x12: {  	s1 =	sld [smem:$0x3F8C];
	s0 =	simm.s32 @p0 $0x1  }
0x13: {  	[smem:$0x3FA7] =	sst s0;
	s0 =	simm.s32 @!p1 $0x0  }
0x14: {  	s2 =	sld [smem:$0x3F8B];
	s0 =	simm.s32 @p1 $0x1  }
0x15: {  	[smem:$0x3FA8] =	sst s0;
	s0 =	simm.s32 @!p2 $0x0  }
0x16: {  	s3 =	sld [smem:$0x3FDB];
	s0 =	simm.s32 @p2 $0x1  }
0x17: {  	s4 =	simm.s32 $0x1BF5;
	[smem:$0x3FAA] =	sst s0  }
0x18: {  	s0 =	sld [smem:$0x3F8D];
	_ =	swait.ge [sflag:s4], $0x0  }
0x19: {  	s7 =	sld [smem:$0x3F8E]  }
0x1a: {  	s8 =	sadd.s32 $0xFFFFE003, lr  }
0x1b: {  	s9 =	sadd.s32 $0xFFFFFEF7, lr;
	s5 =	simm.s32 $0xFFFFFFFF;
	p2 =	slt.u32 s8, $0xFFFFF086  }
0x1c: {  	p1 =	slt.u32 s9, $0xF7A;
	s5 =	simm.s32 @!p2 $0x0  }
0x1d: {  	s5 =	simm.s32 @p1 $0x1;
	p0 =	seq.s32 s7, s2  }
0x1e: {  	s7 =	smul.u32 @!p0 $0xF7A, s2;
	p2 =	seq.s32 @!p0 s5, $0x0  }
0x1f: {  	s9 =	smul.u32 $0xF7A, s1;
	s8 =	simm.s32 @!p0 $0x1BF5;
	p2 =	por !p2, p0  }
0x20: {  	[sflag:s8] =	ssyncset.s32 @!p0 $0xFFFFF086;
	s6 =	sadd.s32 @!p0 s3, s7;
	s7 =	simm.s32 @!p0 $0x108  }
0x21: {  	s3 =	sadd.s32 s3, s9;
	s6 =	sadd.s32 @!p0 $0x88, s6;
	s7 =	simm.s32 @p2 $0x1082  }
0x22: {  	[simem:s7], [sflag:s8] =	dma.local @!p0 [hbm:s6], $0xF7A  }
0x23: {  	s9 =	sor.u32 $0xD0000000, s2;
	s6 =	simm.s32 $0x108;
	_ =	swait.ge @!p0 [sflag:s8], $0x0  }
0x24: {  	s3 =	sadd.s32 $0x88, s3;
	s6 =	simm.s32 @!p1 $0x1082;
	[sflag:s4] =	ssyncset.s32 $0xFFFFF086  }
0x25: {  	[simem:s6], [sflag:s4] =	dma.local [hbm:s3], $0xF7A  }
0x26: {  	[smem:$0x3F8E] =	sst s1;
	(tag) =	ssettag s2;
	_ =	strace s9  }
0x27: {  	s1 =	sld [smem:$0x3F9E]  }
0x28: {  	s2 =	sld [smem:$0x3F9F]  }
0x29: {  	s4 =	sld [smem:$0x3FA1]  }
0x2a: {  	p0 =	seq.s32 s5, $0x0;
	s5 =	sld [smem:$0x3FA2]  }
0x2b: {  	s6 =	sld [smem:$0x3FA3]  }
0x2c: {  	s7 =	sld [smem:$0x3FA4]  }
0x2d: {  	s3 =	simm.s32 $0x108;
	s8 =	sld [smem:$0x3FA5]  }
0x2e: {  	s3 =	simm.s32 @!p0 $0x1082;
	s9 =	sld [smem:$0x3FA6]  }
0x2f: {  	lr =	sadd.s32 s0, s3;
	s0 =	sld [smem:$0x3F9D]  }
0x30: {  	s3 =	sld [smem:$0x3FA0]  }
0x31: {  	[smem:$0x3FA9] =	sst s10  }
0x32: {  	s10 =	sld [smem:$0x3FA7];
	_ =	sdelay $0x3  }
0x33: {  	p0 =	seq.s32 s10, $0x1;
	s10 =	sld [smem:$0x3FA9];
	_ =	sdelay $0x3  }
0x34: {  	[smem:$0x3FA9] =	sst s10  }
0x35: {  	s10 =	sld [smem:$0x3FA8];
	_ =	sdelay $0x3  }
0x36: {  	p1 =	seq.s32 s10, $0x1;
	s10 =	sld [smem:$0x3FA9];
	_ =	sdelay $0x3  }
0x37: {  	[smem:$0x3FA9] =	sst s10  }
0x38: {  	s10 =	sld [smem:$0x3FAA]  }
0x39: {  	_ = 	snop;
	(pc) =	sbr.ind lr, $3  }
0x3a: {  	_ = 	snop  }
0x3b: {  	_ = 	snop  }
0x3c: {  	p2 =	seq.s32 s10, $0x1;
	s10 =	sld [smem:$0x3FA9]  }
0x3d: {  	_ =	shalt  }
0x3e: {  	_ =	shalt  }
0x3f: {  	_ =	shalt  }
0x40: {  	_ =	shalt  }
0x41: {  	_ =	shalt  }
0x42: {  	_ =	shalt  }
0x43: {  	_ =	shalt  }
0x44: {  	_ =	shalt  }
0x45: {  	_ =	shalt  }
0x46: {  	_ =	shalt  }
0x47: {  	_ =	shalt  }
0x48: {  	_ =	shalt  }
0x49: {  	_ =	shalt  }
0x4a: {  	_ =	shalt  }
0x4b: {  	_ =	shalt  }
0x4c: {  	_ =	shalt  }
0x4d: {  	_ =	shalt  }
0x4e: {  	_ =	shalt  }
0x4f: {  	_ =	shalt  }
0x50: {  	_ =	shalt  }
0x51: {  	_ =	shalt  }
0x52: {  	_ =	shalt  }
0x53: {  	_ =	shalt  }
0x54: {  	_ =	shalt  }
0x55: {  	_ =	shalt  }
0x56: {  	_ =	shalt  }
0x57: {  	_ =	shalt  }
0x58: {  	_ =	shalt  }
0x59: {  	_ =	shalt  }
0x5a: {  	_ =	shalt  }
0x5b: {  	_ =	shalt  }
0x5c: {  	_ =	shalt  }
0x5d: {  	_ =	shalt  }
0x5e: {  	_ =	shalt  }
0x5f: {  	_ =	shalt  }
0x60: {  	_ =	shalt  }
0x61: {  	_ =	shalt  }
0x62: {  	_ =	shalt  }
0x63: {  	_ =	shalt  }
0x64: {  	_ =	shalt  }
0x65: {  	_ =	shalt  }
0x66: {  	_ =	shalt  }
0x67: {  	_ =	shalt  }
0x68: {  	_ =	shalt  }
0x69: {  	_ =	shalt  }
0x6a: {  	_ =	shalt  }
0x6b: {  	_ =	shalt  }
0x6c: {  	_ =	shalt  }
0x6d: {  	_ =	shalt  }
0x6e: {  	_ =	shalt  }
0x6f: {  	_ =	shalt  }
0x70: {  	_ =	shalt  }
0x71: {  	_ =	shalt  }
0x72: {  	_ =	shalt  }
0x73: {  	_ =	shalt  }
0x74: {  	_ =	shalt  }
0x75: {  	_ =	shalt  }
0x76: {  	_ =	shalt  }
0x77: {  	_ =	shalt  }
0x78: {  	_ =	shalt  }
0x79: {  	_ =	shalt  }
0x7a: {  	_ =	shalt  }
0x7b: {  	_ =	shalt  }
0x7c: {  	_ =	shalt  }
0x7d: {  	_ =	shalt  }
0x7e: {  	_ =	shalt  }
0x7f: {  	_ =	shalt  }
0x80: {  	_ =	shalt  }
0x81: {  	_ =	shalt  }
0x82: {  	_ =	shalt  }
0x83: {  	_ =	shalt  }
0x84: {  	_ =	shalt  }
0x85: {  	_ =	shalt  }
0x86: {  	_ =	shalt  }
0x87: {  	_ =	shalt  }
.Lfunc_end0:
.L_simem_size_0:
called_computation_lowered:
.L_overlay_start_0:
0x88: {  	s2 =	sld [smem:$0x3FD9]  }
0x89: {  	s3 =	sld [smem:$0x3FFE];
	_ =	sdelay $0x1  }
0x8a: {  	s1 =	srdreg.scid  }
0x8b: {  	s0 =	sand.u32 $0x1, s1  }
0x8c: {  	s14 =	sshll.u32 s0, $0xA;
	s2 =	sadd.s32 s3, s2  }
0x8d: {  	s2 =	sadd.s32 s2, s14  }
0x8e: {  	[smem:$0x3FB5] =	sst s2  }
0x8f: {  	_ = 	snop  }
0x90: {  	s2 =	sld [smem:$0x3FD0];
	_ =	sdelay $0x2  }
0x91: {  	s15 =	simm.s32 $0xA;
	s4 =	simm.s32 $0x10  }
0x92: {  	[smem:s4], [sflag:s15] =	dma.local [hbm:s2], $0x1  }
0x93: {  	_ =	swait.eq [sflag:s15], $0x1  }
0x94: {  	[sflag:s15] =	ssyncset.done $0x0  }
0x95: {  	s16 =	sld [smem:$0x10];
	[sflag:s15] =	ssyncadd.s32 $0xFFFFFFFF  }
0x96: {  	s17 =	sld [smem:$0x11];
	(tm) =	ssettm $0x1  }
0x97: {  	s18 =	sld [smem:$0x3FFB];
	_ =	sdelay $0x3  }
0x98: {  	_ =	strace s18  }
0x99: {  	s4 =	sld [smem:$0x3FFC];
	_ =	sdelay $0x3  }
0x9a: {  	_ =	strace s4  }
0x9b: {  	s4 =	sld [smem:$0x3FFD];
	_ =	sdelay $0x3  }
0x9c: {  	_ =	strace s4  }
0x9d: {  	_ =	strace $0x8FFFFFFF  }
0x9e: {  	s19 =	sld [smem:$0x3FDB];
	_ =	sdelay $0x1  }
0x9f: {  	s5 =	simm.s32 $_scs_section_size  }
0xa0: {  	s6 =	simm.s32 $_size__tile_overlayer_lowered;
	s7 =	simm.s32 $_tile_overlayer_lowered  }
0xa1: {  	s22 =	simm.s32 $0x1BFF;
	s21 =	sshll.u32 s7, $0x1;
	s4 =	sadd.s32 s5, s19  }
0xa2: {  	s8 =	simm.s32 $0x0;
	s20 =	sshll.u32 s6, $0x1;
	s6 =	sadd.s32 s21, s4  }
0xa3: {  	[timem:s8], [sflag:s22] =	dma.local [hbm:s6], s20  }
0xa4: {  	_ =	swait.ge [sflag:s22], s20  }
0xa5: {  	s5 =	ssub.s32 $0x0, s20;
	[sflag:s22] =	ssyncset.done $0x0  }
0xa6: {  	[sflag:s22] =	ssyncadd.s32 s5;
	_ =	sdelay $0x1  }
0xa7: {  	s23 =	simm.s32 $0x1B8B  }
0xa8: {  	_ =	swait.ge [sflag:s23], $0x1  }
0xa9: {  	[sflag:s23] =	ssyncset.done $0x0  }
0xaa: {  	s25 =	simm.s32 $0x1B8E;
	s24 =	sld [smem:$0x3FFE];
	[sflag:s23] =	ssyncadd.s32 $0xFFFFFFFF  }
0xab: {  	s26 =	simm.s32 $execute0_lowered;
	[smem:$0x3FD2] =	sst s25  }
0xac: {  	s6 =	sshll.u32 s26, $0x1;
	_ =	strace $0x80000046;
	[dreg:$0x1] =	wrdreg $0xFFFFFFFF  }
0xad: {  	s28 =	simm.s32 $_size_execute0_lowered;
	s4 =	sadd.s32 s4, s6;
	[dreg:$0x0] =	wrdreg $0x0  }
0xae: {  	s6 =	sshll.u32 s28, $0x1;
	[dreg:$0x2] =	wrdreg s4  }
0xaf: {  	[dreg:$0x3] =	wrdreg s6  }
0xb0: {  	[dreg:$0x4] =	wrdreg $0xC0  }
0xb1: {  	_ =	task [dreg:s8], $0x5FFFF  }
0xb2: {  	[dreg:$0x1] =	wrdreg $0xFFFFFFFF  }
0xb3: {  	[dreg:$0x0] =	wrdreg $0x60  }
0xb4: {  	[dreg:$0x2] =	wrdreg s16  }
0xb5: {  	[dreg:$0x3] =	wrdreg s17  }
0xb6: {  	[dreg:$0x4] =	wrdreg s24  }
0xb7: {  	[dreg:$0x5] =	wrdreg $0x9  }
0xb8: {  	_ =	task.clear_ibuf [dreg:s8], $0x6FFFF;
	_ =	strace $0x90000046  }
0xb9: {  	s29 =	simm.s32 $0x9;
	_ =	strace $0x80000048  }
0xba: {  	_ =	swait.ge [sflag:s29], $0x1  }
0xbb: {  	[sflag:s29] =	ssyncadd.s32 $0xFFFFFFFF  }
0xbc: {  	_ =	strace $0x90000048  }
0xbd: {  	_ =	sfence  }
0xbe: {  	s30 =	sld [smem:$0x0];
	_ =	sdelay $0x2  }
0xbf: {  	s31 =	sshll.u32 s1, $0xD;
	s1 =	sshrl.u32 s1, $0x2  }
0xc0: {  	s3 =	sand.u32 $0x4000, s31;
	s1 =	sadd.s32 s1, s30  }
0xc1: {  	s0 =	sor.u32 s3, s0;
	s1 =	sshll.u32 s1, $0x11  }
0xc2: {  	s0 =	sor.u32 s1, s0  }
0xc3: {  	s0 =	sadd.s32 $0x8F2B, s0  }
0xc4: {  	[sflag:s0] =	ssyncadd.remote.s32 $0x1  }
0xc5: {  	_ =	sfence.sel $0xFFFF  }
0xc6: {  	[dreg:$0x0] =	wrdreg $0xFFFFFFFF;
	(pc) =	sbr.abs _section_cstart, $3  }
0xc7: {  	[dreg:$0x1] =	wrdreg $0xFFFFFFFF  }
0xc8: {  	_ =	task.clear_ibuf [dreg:s8], $0x2FFFF;
	_ =	strace $0x9FFFFFFF  }
0xc9: {  	(tm) =	ssettm $0x7FFFFFFF  }
tec
execute0_lowered:
.L_overlay_start_1:
0x0: {  	(tag) =	ssettag $0x1  }
0x1: {  	s1 =	rddreg [dreg:$0x0];
	s2 =	srdreg.scid  }
0x2: {  	s4 =	rddreg [dreg:$0x1];
	s0 =	stileid.u32  }
0x3: {  	s8 =	rddreg [dreg:$0x2];
	s3 =	simm.s32 $0x0;
	s6 =	sand.u32 $0x1, s2  }
0x4: {  	s5 =	sshll.u32 s0, $0x9;
	s2 =	rddreg [dreg:$0x3];
	s7 =	sshll.u32 s6, $0x8  }
0x5: {  	[smem:$0x7FF] =	sst s3;
	s9 =	sor.u32 s7, s5  }
0x6: {  	_ =	strace $0x80000047;
	s10 =	ssub.s32 $0x2, s6;
	s5 =	sshrl.u32 s9, $0x3  }
0x7: {  	s6 =	simm.s32 $0x100;
	s5 =	sadd.s32 s4, s5;
	s4 =	simm.s32 $0x2  }
0x8: {  	[tilespmem:s3], [sflag:$0x2] =	stream.linear.gather [hbm4b:s5+s3], $0x100, $0x38;
	[tilespmem:$0x8100] =	vst v63  }
0x9: {  	s7 =	simm.s32 $0x1;
	s11 =	sshrl.u32 s10, $0x1;
	_ =	swait.ge [sflag:s4], $0x100  }
0xa: {  	s9 =	sshll.u32 s9, $0x4;
	s31 =	ssub.s32 s10, s11;
	[sflag:s4] =	ssyncset.done $0x0  }
0xb: {  	s8 =	sadd.s32 s9, s8;
	s9 =	smax.u32 s31, $0x1;
	[sflag:s4] =	ssyncadd.s32 $0xFFFFFF00  }
0xc: {  	[tilespmem:s6], [sflag:$0x1] =	stream.indirect.gather [hbm4b:s1+s6], $0x80, s3, s6, $0xb8;
	[tilespmem:$0x8100] =	vst v63  }
0xd: {  	p0 =	sne.s32 s9, $0x1;
	_ =	swait.ge [sflag:s7], $0x8000  }
.Ltmp0:
0xe: {  	[sflag:s7] =	ssyncset.done $0x0;
	(pc) =	sbr.rel @!p0 .LBB2_2-.Ltmp0, $4  }
0xf: {  	s8 =	sadd.s32 $0x4600, s8;
	[sflag:s7] =	ssyncadd.s32 $0xFFFF8000  }
0x10: {  	[hbm4b:s8+s3] =	stream.linear.scatter [tilespmem:s6], [sflag:$0x2], $0x8000, $0x38;
	[tilespmem:$0x8100] =	vst v63  }
0x11: {  	_ =	swait.ge [sflag:s4], $0x8000  }
0x12: {  	s9 =	sadd.s32 $0xFFFFFFFF, s9;
	[sflag:s4] =	ssyncset.done $0x0  }
.LBB2_1:
0x13: {  	p0 =	sne.s32 s9, $0x1;
	s9 =	sadd.s32 $0xFFFFFFFF, s9;
	[sflag:s4] =	ssyncadd.s32 $0xFFFF8000  }
0x14: {  	[tilespmem:s3], [sflag:$0x2] =	stream.linear.gather [hbm4b:s5+s3], $0x100, $0x38;
	[tilespmem:$0x8100] =	vst v63  }
0x15: {  	_ =	swait.ge [sflag:s4], $0x100  }
0x16: {  	[sflag:s4] =	ssyncset.done $0x0  }
0x17: {  	[sflag:s4] =	ssyncadd.s32 $0xFFFFFF00  }
0x18: {  	[tilespmem:s6], [sflag:$0x1] =	stream.indirect.gather [hbm4b:s1+s6], $0x80, s3, s6, $0xb8;
	[tilespmem:$0x8100] =	vst v63  }
0x19: {  	_ =	swait.ge [sflag:s7], $0x8000  }
.Ltmp1:
0x1a: {  	[sflag:s7] =	ssyncset.done $0x0;
	(pc) =	sbr.rel @p0 .LBB2_1-.Ltmp1, $4  }
0x1b: {  	[sflag:s7] =	ssyncadd.s32 $0xFFFF8000  }
0x1c: {  	[hbm4b:s8+s3] =	stream.linear.scatter [tilespmem:s6], [sflag:$0x2], $0x8000, $0x38;
	[tilespmem:$0x8100] =	vst v63  }
0x1d: {  	_ =	swait.ge [sflag:s4], $0x8000  }
0x1e: {  	[sflag:s4] =	ssyncset.done $0x0  }
.LBB2_2:
0x1f: {  	[sflag:s4] =	ssyncadd.s32 $0xFFFF8000  }
0x20: {  	_ =	sfence.sel $0x180000  }
0x21: {  	[bflag:$0x0] =	sbarrier.arrive $0xFFFF  }
0x22: {  	p0 =	sne.s32 s0, $0x0;
	_ =	strace $0x90000047  }
0x23: {  	s0 =	sadd.s32 @!p0 $0x100000, s2;
	[bflag:$0x2] =	sbarrier.arrive $0xFFFF  }
0x24: {  	[sflag:s0] =	ssyncadd.tile.s32 @!p0 $0x1;
	_ =	shalt  }
.Lfunc_end2:
_tile_overlayer_lowered:
.L_overlay_start_2:
0x25: {  	(tag) =	ssettag $0x2  }
0x26: {  	s0 =	rddreg [dreg:$0x0];
	s2 =	stileid.u32  }
0x27: {  	s1 =	rddreg [dreg:$0x1];
	p0 =	sne.s32 s2, $0x0  }
0x28: {  	s3 =	rddreg [dreg:$0x2];
	[bflag:$0x3] =	sbarrier.arrive $0xFFFF;
	s2 =	simm.s32 @!p0 $0x1C02  }
0x29: {  	[timem:s3], [sflag:s2] =	dma.local @!p0 [hbm:s0], s1  }
0x2a: {  	s0 =	simm.s32 @!p0 $0x2  }
0x2b: {  	_ =	swait.ge @!p0 [sflag:s0], s1  }
0x2c: {  	s1 =	ssub.s32 @!p0 $0x0, s1;
	[sflag:s0] =	ssyncset.done @!p0 $0x0  }
0x2d: {  	[sflag:s0] =	ssyncadd.s32 @!p0 s1  }
0x2e: {  	[bflag:$0x3] =	sbarrier.arrive $0xFFFF  }
0x2f: {  	_ =	shalt  }

</sc_bundles>
